<compile_context>
chip_gen: v7x
topology: tpu7x:2x2x1
jax: 0.10.2.dev20260603
libtpu: 0.0.44.dev20260713+nightly
codegen_flags: <defaults>
</compile_context>

<pallas_src>
import functools

import jax
import jax.numpy as jnp
from jax import lax
from jax.experimental import pallas as pl
from jax.experimental.pallas import tpu as pltpu
from jax.experimental.pallas import tpu_sc as plsc

_NUM_CORES = 2
_NUM_SUBCORES = 16
_NW = _NUM_CORES * _NUM_SUBCORES

_CHUNK = 128
_NBUF = 4

_VB = 128


_PW = 4096


@functools.cache
def _build_pack(V, D):
    grid = (V + 2 * _PW - 1) // (2 * _PW)
    h_pad = grid * _PW
    last = (V - 1) // _PW

    def pack_kernel(lo_ref, hi_ref, o_ref):
        o_ref[...] = jnp.concatenate([lo_ref[...].T, hi_ref[...].T], axis=1)

    return pl.pallas_call(
        pack_kernel,
        grid=(grid,),
        in_specs=[
            pl.BlockSpec((D, _PW), lambda g: (0, jnp.minimum(2 * g, last))),
            pl.BlockSpec((D, _PW),
                         lambda g: (0, jnp.minimum(2 * g + 1, last))),
        ],
        out_specs=pl.BlockSpec((_PW, 2 * D), lambda g: (g, 0)),
        out_shape=jax.ShapeDtypeStruct((h_pad, 2 * D), jnp.float32),
    )


@functools.cache
def _build_gather(V, D, S):
    mesh = plsc.VectorSubcoreMesh(core_axis_name="c", subcore_axis_name="s")

    @functools.partial(
        pl.kernel,
        out_type=jax.ShapeDtypeStruct((_NW, S, _CHUNK, 2 * D), jnp.float32),
        mesh=mesh,
        compiler_params=pltpu.CompilerParams(use_tc_tiling_on_sc=False),
        scratch_types=[
            pltpu.VMEM((S, _CHUNK), jnp.int32),
            pltpu.VMEM((_NBUF, _CHUNK, D), jnp.float32),
            [pltpu.SemaphoreType.DMA] * _NBUF,
            [pltpu.SemaphoreType.DMA] * _NBUF,
        ],
    )
    def gather_kernel(idx_hbm, table_hbm, out_hbm, idx_v, rows_v, gsems, wsems):
        wid = lax.axis_index("s") * _NUM_CORES + lax.axis_index("c")

        pltpu.sync_copy(idx_hbm.at[wid], idx_v)

        def start_gather(c, slot):
            pltpu.async_copy(table_hbm.at[idx_v.at[c]], rows_v.at[slot],
                             gsems[slot])

        def wait_gather(c, slot):
            pltpu.make_async_copy(table_hbm.at[idx_v.at[c]], rows_v.at[slot],
                                  gsems[slot]).wait()

        def start_write(c, slot):
            pltpu.async_copy(rows_v.at[slot],
                             out_hbm.at[wid, c, :, pl.ds(0, D)], wsems[slot])

        def wait_write(c, slot):
            pltpu.make_async_copy(rows_v.at[slot],
                                  out_hbm.at[wid, c, :, pl.ds(0, D)],
                                  wsems[slot]).wait()

        for b in range(_NBUF):
            start_gather(b, b)

        def body(g, _):
            for b in range(_NBUF):
                c = g * _NBUF + b
                wait_gather(c, b)
                start_write(c, b)
                wait_write(c, b)
                start_gather(c + _NBUF, b)
            return _

        lax.fori_loop(0, S // _NBUF - 1, body, None)

        for b in range(_NBUF):
            c = S - _NBUF + b
            wait_gather(c, b)
            start_write(c, b)
        for b in range(_NBUF):
            wait_write(S - _NBUF + b, b)

    return gather_kernel


def kernel(X, table):
    V, D = table.shape
    B = X.size
    assert B % (_NW * _CHUNK) == 0
    S = B // (_NW * _CHUNK)
    tT = table.T
    packed = _build_pack(V, D)(tT, tT)
    V2 = packed.shape[0] * 2
    table_rm = packed.reshape(V2, D)
    Xr = X.astype(jnp.int32)
    g = Xr // (2 * _PW)
    r = Xr % (2 * _PW)
    Xi = 2 * (_PW * g + (r & (_PW - 1))) + (r // _PW)
    idx = Xi.reshape(_NW, S, _CHUNK)
    out = _build_gather(V2, D, S)(idx, table_rm)
    return out.reshape(B, 2 * D)[:, :D].reshape(X.shape + (D,))

# --- scband reference (transcript-rebuilt; emitter-appended) ---
"""Pipeline reference for scband-embeddings-encoder-29472065585297 (READ-ONLY COPY).

The authoritative reference and input builder live on the scoring server;
editing this copy changes nothing except your own understanding.
"""

import jax, jax.numpy as jnp
import numpy as np

VOCAB = 1000000
DIM = 64
BATCH = 4096
SEQ = 200

def setup_inputs(seed: int = 0) -> dict:
    key = jax.random.key(seed)
    k1, k2 = jax.random.split(key)
    X = jax.random.randint(k1, (BATCH, SEQ), 0, VOCAB, dtype=jnp.int64 if jax.config.jax_enable_x64 else jnp.int32)
    # Embedding table, same role as nn.Embedding(vocab_size, encoded_size).weight
    # (torch default init is N(0,1)).
    table = jax.random.normal(k2, (VOCAB, DIM), dtype=jnp.float32)
    return {"X": X, "table": table}

def reference(X, table):
    # EmbeddingsEncoder.encode: self.embeddings(X.long()) -> gather rows
    return jnp.take(table, X, axis=0)

if __name__ == "__main__":
    import jax
    _d = setup_inputs()
    print(jax.jit(kernel)(*tuple(_d.values())))

</pallas_src>

<mosaic_0001>
#map = affine_map<(d0, d1) -> (0, 0, 0)>
#map1 = affine_map<(d0, d1) -> (0, 0)>
#map2 = affine_map<(d0, d1) -> (0, 0, 0, 0)>
module attributes {stable_mosaic.version = 14 : i64} {
  func.func @gather_kernel(%arg0: i32, %arg1: i32, %arg2: memref<32x200x128xi32, #tpu.memory_space<hbm>>, %arg3: memref<1007616x64xf32, #tpu.memory_space<hbm>>, %arg4: memref<32x200x128x128xf32, #tpu.memory_space<hbm>>, %arg5: memref<200x128xi32, #tpu.memory_space<vmem>>, %arg6: memref<4x128x64xf32, #tpu.memory_space<vmem>>, %arg7: memref<!tpu.dma_semaphore, #tpu.memory_space<semaphore_mem>>, %arg8: memref<!tpu.dma_semaphore, #tpu.memory_space<semaphore_mem>>, %arg9: memref<!tpu.dma_semaphore, #tpu.memory_space<semaphore_mem>>, %arg10: memref<!tpu.dma_semaphore, #tpu.memory_space<semaphore_mem>>, %arg11: memref<!tpu.dma_semaphore, #tpu.memory_space<semaphore_mem>>, %arg12: memref<!tpu.dma_semaphore, #tpu.memory_space<semaphore_mem>>, %arg13: memref<!tpu.dma_semaphore, #tpu.memory_space<semaphore_mem>>, %arg14: memref<!tpu.dma_semaphore, #tpu.memory_space<semaphore_mem>>) attributes {dimension_semantics = [#tpu.dimension_semantics<core_parallel>, #tpu.dimension_semantics<subcore_parallel>], iteration_bounds = array<i64: 2, 16>, scalar_prefetch = 0 : i64, scratch_operands = 10 : i64, tpu.core_type = #tpu.core_type<sc_vector_subcore>, window_params = [{transform_indices = #map}, {transform_indices = #map1}, {transform_indices = #map2}]} {
    %mul3A = arith.constant 2 : i32
    %mul3A_0 = arith.muli %arg1, %mul3A : i32
    %add3A = arith.addi %mul3A_0, %arg0 : i32
    "tpu.region"() ({
      %run_scoped3A = tpu.sem_alloc : memref<!tpu.dma_semaphore, #tpu.memory_space<semaphore_mem>>
      %dma_start3A_243 = arith.constant 0 : i32
      %dma_start3A_244 = arith.constant 0 : i32
      %dma_start3A_245 = tpu.memref_slice %arg2[%add3A, %dma_start3A_243, %dma_start3A_244] : memref<32x200x128xi32, #tpu.memory_space<hbm>> -> memref<1x200x128xi32, #tpu.memory_space<hbm>>
      %dma_start3A_246 = tpu.memref_squeeze %dma_start3A_245 : memref<1x200x128xi32, #tpu.memory_space<hbm>> -> memref<200x128xi32, #tpu.memory_space<hbm>>
      %dma_start3A_247 = arith.constant 0 : i32
      %dma_start3A_248 = arith.constant 0 : i32
      %dma_start3A_249 = tpu.memref_slice %arg2[%add3A, %dma_start3A_247, %dma_start3A_248] : memref<32x200x128xi32, #tpu.memory_space<hbm>> -> memref<1x200x128xi32, #tpu.memory_space<hbm>>
      %dma_start3A_250 = tpu.memref_squeeze %dma_start3A_249 : memref<1x200x128xi32, #tpu.memory_space<hbm>> -> memref<200x128xi32, #tpu.memory_space<hbm>>
      tpu.enqueue_dma source(%dma_start3A_250 : memref<200x128xi32, #tpu.memory_space<hbm>>) target(%arg5 : memref<200x128xi32, #tpu.memory_space<vmem>>) target_semaphore(%run_scoped3A : memref<!tpu.dma_semaphore, #tpu.memory_space<semaphore_mem>>)
      %dma_wait3A_251 = arith.constant 0 : i32
      %dma_wait3A_252 = arith.constant 0 : i32
      %dma_wait3A_253 = tpu.memref_slice %arg2[%add3A, %dma_wait3A_251, %dma_wait3A_252] : memref<32x200x128xi32, #tpu.memory_space<hbm>> -> memref<1x200x128xi32, #tpu.memory_space<hbm>>
      %dma_wait3A_254 = tpu.memref_squeeze %dma_wait3A_253 : memref<1x200x128xi32, #tpu.memory_space<hbm>> -> memref<200x128xi32, #tpu.memory_space<hbm>>
      %dma_wait3A_255 = arith.constant 0 : i32
      %dma_wait3A_256 = arith.constant 0 : i32
      %dma_wait3A_257 = tpu.memref_slice %arg2[%add3A, %dma_wait3A_255, %dma_wait3A_256] : memref<32x200x128xi32, #tpu.memory_space<hbm>> -> memref<1x200x128xi32, #tpu.memory_space<hbm>>
      %dma_wait3A_258 = tpu.memref_squeeze %dma_wait3A_257 : memref<1x200x128xi32, #tpu.memory_space<hbm>> -> memref<200x128xi32, #tpu.memory_space<hbm>>
      tpu.wait_dma2 semaphore(%run_scoped3A : memref<!tpu.dma_semaphore, #tpu.memory_space<semaphore_mem>>) src(%dma_wait3A_258 : memref<200x128xi32, #tpu.memory_space<hbm>>) dst(%arg5 : memref<200x128xi32, #tpu.memory_space<vmem>>)
      tpu.yield
    }) : () -> ()
    %dma_start3A = arith.constant 0 : i32
    %dma_start3A_1 = arith.constant 0 : i32
    %dma_start3A_2 = arith.constant 0 : i32
    %dma_start3A_3 = arith.constant 0 : i32
    %dma_start3A_4 = tpu.memref_slice %arg6[%dma_start3A_1, %dma_start3A_2, %dma_start3A_3] : memref<4x128x64xf32, #tpu.memory_space<vmem>> -> memref<1x128x64xf32, #tpu.memory_space<vmem>>
    %dma_start3A_5 = tpu.memref_squeeze %dma_start3A_4 : memref<1x128x64xf32, #tpu.memory_space<vmem>> -> memref<128x64xf32, #tpu.memory_space<vmem>>
    %dma_start3A_6 = arith.constant 0 : i32
    %dma_start3A_7 = tpu.memref_slice %arg5[%dma_start3A, %dma_start3A_6] : memref<200x128xi32, #tpu.memory_space<vmem>> -> memref<1x128xi32, #tpu.memory_space<vmem>>
    %dma_start3A_8 = tpu.memref_squeeze %dma_start3A_7 : memref<1x128xi32, #tpu.memory_space<vmem>> -> memref<128xi32, #tpu.memory_space<vmem>>
    %dma_start3A_9 = arith.constant 0 : i32
    %dma_start3A_10 = arith.constant 0 : i32
    %dma_start3A_11 = tpu.memref_slice %arg3[%dma_start3A_9, %dma_start3A_10] : memref<1007616x64xf32, #tpu.memory_space<hbm>> -> memref<1007616x64xf32, #tpu.memory_space<hbm>>
    tpu.enqueue_indirect_dma source(%dma_start3A_11 : memref<1007616x64xf32, #tpu.memory_space<hbm>>) target(%dma_start3A_5 : memref<128x64xf32, #tpu.memory_space<vmem>>) offsets(%dma_start3A_8 : memref<128xi32, #tpu.memory_space<vmem>>) semaphore(%arg7 : memref<!tpu.dma_semaphore, #tpu.memory_space<semaphore_mem>>)
    %dma_start3A_12 = arith.constant 1 : i32
    %dma_start3A_13 = arith.constant 1 : i32
    %dma_start3A_14 = arith.constant 0 : i32
    %dma_start3A_15 = arith.constant 0 : i32
    %dma_start3A_16 = tpu.memref_slice %arg6[%dma_start3A_13, %dma_start3A_14, %dma_start3A_15] : memref<4x128x64xf32, #tpu.memory_space<vmem>> -> memref<1x128x64xf32, #tpu.memory_space<vmem>>
    %dma_start3A_17 = tpu.memref_squeeze %dma_start3A_16 : memref<1x128x64xf32, #tpu.memory_space<vmem>> -> memref<128x64xf32, #tpu.memory_space<vmem>>
    %dma_start3A_18 = arith.constant 0 : i32
    %dma_start3A_19 = tpu.memref_slice %arg5[%dma_start3A_12, %dma_start3A_18] : memref<200x128xi32, #tpu.memory_space<vmem>> -> memref<1x128xi32, #tpu.memory_space<vmem>>
    %dma_start3A_20 = tpu.memref_squeeze %dma_start3A_19 : memref<1x128xi32, #tpu.memory_space<vmem>> -> memref<128xi32, #tpu.memory_space<vmem>>
    %dma_start3A_21 = arith.constant 0 : i32
    %dma_start3A_22 = arith.constant 0 : i32
    %dma_start3A_23 = tpu.memref_slice %arg3[%dma_start3A_21, %dma_start3A_22] : memref<1007616x64xf32, #tpu.memory_space<hbm>> -> memref<1007616x64xf32, #tpu.memory_space<hbm>>
    tpu.enqueue_indirect_dma source(%dma_start3A_23 : memref<1007616x64xf32, #tpu.memory_space<hbm>>) target(%dma_start3A_17 : memref<128x64xf32, #tpu.memory_space<vmem>>) offsets(%dma_start3A_20 : memref<128xi32, #tpu.memory_space<vmem>>) semaphore(%arg8 : memref<!tpu.dma_semaphore, #tpu.memory_space<semaphore_mem>>)
    %dma_start3A_24 = arith.constant 2 : i32
    %dma_start3A_25 = arith.constant 2 : i32
    %dma_start3A_26 = arith.constant 0 : i32
    %dma_start3A_27 = arith.constant 0 : i32
    %dma_start3A_28 = tpu.memref_slice %arg6[%dma_start3A_25, %dma_start3A_26, %dma_start3A_27] : memref<4x128x64xf32, #tpu.memory_space<vmem>> -> memref<1x128x64xf32, #tpu.memory_space<vmem>>
    %dma_start3A_29 = tpu.memref_squeeze %dma_start3A_28 : memref<1x128x64xf32, #tpu.memory_space<vmem>> -> memref<128x64xf32, #tpu.memory_space<vmem>>
    %dma_start3A_30 = arith.constant 0 : i32
    %dma_start3A_31 = tpu.memref_slice %arg5[%dma_start3A_24, %dma_start3A_30] : memref<200x128xi32, #tpu.memory_space<vmem>> -> memref<1x128xi32, #tpu.memory_space<vmem>>
    %dma_start3A_32 = tpu.memref_squeeze %dma_start3A_31 : memref<1x128xi32, #tpu.memory_space<vmem>> -> memref<128xi32, #tpu.memory_space<vmem>>
    %dma_start3A_33 = arith.constant 0 : i32
    %dma_start3A_34 = arith.constant 0 : i32
    %dma_start3A_35 = tpu.memref_slice %arg3[%dma_start3A_33, %dma_start3A_34] : memref<1007616x64xf32, #tpu.memory_space<hbm>> -> memref<1007616x64xf32, #tpu.memory_space<hbm>>
    tpu.enqueue_indirect_dma source(%dma_start3A_35 : memref<1007616x64xf32, #tpu.memory_space<hbm>>) target(%dma_start3A_29 : memref<128x64xf32, #tpu.memory_space<vmem>>) offsets(%dma_start3A_32 : memref<128xi32, #tpu.memory_space<vmem>>) semaphore(%arg9 : memref<!tpu.dma_semaphore, #tpu.memory_space<semaphore_mem>>)
    %dma_start3A_36 = arith.constant 3 : i32
    %dma_start3A_37 = arith.constant 3 : i32
    %dma_start3A_38 = arith.constant 0 : i32
    %dma_start3A_39 = arith.constant 0 : i32
    %dma_start3A_40 = tpu.memref_slice %arg6[%dma_start3A_37, %dma_start3A_38, %dma_start3A_39] : memref<4x128x64xf32, #tpu.memory_space<vmem>> -> memref<1x128x64xf32, #tpu.memory_space<vmem>>
    %dma_start3A_41 = tpu.memref_squeeze %dma_start3A_40 : memref<1x128x64xf32, #tpu.memory_space<vmem>> -> memref<128x64xf32, #tpu.memory_space<vmem>>
    %dma_start3A_42 = arith.constant 0 : i32
    %dma_start3A_43 = tpu.memref_slice %arg5[%dma_start3A_36, %dma_start3A_42] : memref<200x128xi32, #tpu.memory_space<vmem>> -> memref<1x128xi32, #tpu.memory_space<vmem>>
    %dma_start3A_44 = tpu.memref_squeeze %dma_start3A_43 : memref<1x128xi32, #tpu.memory_space<vmem>> -> memref<128xi32, #tpu.memory_space<vmem>>
    %dma_start3A_45 = arith.constant 0 : i32
    %dma_start3A_46 = arith.constant 0 : i32
    %dma_start3A_47 = tpu.memref_slice %arg3[%dma_start3A_45, %dma_start3A_46] : memref<1007616x64xf32, #tpu.memory_space<hbm>> -> memref<1007616x64xf32, #tpu.memory_space<hbm>>
    tpu.enqueue_indirect_dma source(%dma_start3A_47 : memref<1007616x64xf32, #tpu.memory_space<hbm>>) target(%dma_start3A_41 : memref<128x64xf32, #tpu.memory_space<vmem>>) offsets(%dma_start3A_44 : memref<128xi32, #tpu.memory_space<vmem>>) semaphore(%arg10 : memref<!tpu.dma_semaphore, #tpu.memory_space<semaphore_mem>>)
    %scan3A = arith.constant 0 : i32
    %scan3A_48 = arith.constant 49 : i32
    %scan3A_49 = arith.addi %scan3A, %scan3A_48 : i32
    %scan3A_50 = arith.constant 1 : i32
    scf.for %scan3A_243 = %scan3A to %scan3A_49 step %scan3A_50  : i32 {
      %mul3A_244 = arith.constant 4 : i32
      %mul3A_245 = arith.muli %scan3A_243, %mul3A_244 : i32
      %add3A_246 = arith.constant 0 : i32
      %add3A_247 = arith.addi %mul3A_245, %add3A_246 : i32
      %dma_wait3A_248 = arith.constant 0 : i32
      %dma_wait3A_249 = arith.constant 0 : i32
      %dma_wait3A_250 = arith.constant 0 : i32
      %dma_wait3A_251 = tpu.memref_slice %arg6[%dma_wait3A_248, %dma_wait3A_249, %dma_wait3A_250] : memref<4x128x64xf32, #tpu.memory_space<vmem>> -> memref<1x128x64xf32, #tpu.memory_space<vmem>>
      %dma_wait3A_252 = tpu.memref_squeeze %dma_wait3A_251 : memref<1x128x64xf32, #tpu.memory_space<vmem>> -> memref<128x64xf32, #tpu.memory_space<vmem>>
      %dma_wait3A_253 = arith.constant 0 : i32
      %dma_wait3A_254 = tpu.memref_slice %arg5[%add3A_247, %dma_wait3A_253] : memref<200x128xi32, #tpu.memory_space<vmem>> -> memref<1x128xi32, #tpu.memory_space<vmem>>
      %dma_wait3A_255 = tpu.memref_squeeze %dma_wait3A_254 : memref<1x128xi32, #tpu.memory_space<vmem>> -> memref<128xi32, #tpu.memory_space<vmem>>
      %dma_wait3A_256 = arith.constant 0 : i32
      %dma_wait3A_257 = arith.constant 0 : i32
      %dma_wait3A_258 = tpu.memref_slice %arg3[%dma_wait3A_256, %dma_wait3A_257] : memref<1007616x64xf32, #tpu.memory_space<hbm>> -> memref<1007616x64xf32, #tpu.memory_space<hbm>>
      tpu.wait_indirect_dma semaphore(%arg7 : memref<!tpu.dma_semaphore, #tpu.memory_space<semaphore_mem>>) src(%dma_wait3A_258 : memref<1007616x64xf32, #tpu.memory_space<hbm>>) dst(%dma_wait3A_252 : memref<128x64xf32, #tpu.memory_space<vmem>>)
      %dma_start3A_259 = arith.constant 0 : i32
      %dma_start3A_260 = arith.constant 0 : i32
      %dma_start3A_261 = arith.constant 0 : i32
      %dma_start3A_262 = tpu.memref_slice %arg6[%dma_start3A_259, %dma_start3A_260, %dma_start3A_261] : memref<4x128x64xf32, #tpu.memory_space<vmem>> -> memref<1x128x64xf32, #tpu.memory_space<vmem>>
      %dma_start3A_263 = tpu.memref_squeeze %dma_start3A_262 : memref<1x128x64xf32, #tpu.memory_space<vmem>> -> memref<128x64xf32, #tpu.memory_space<vmem>>
      %dma_start3A_264 = arith.constant 0 : i32
      %dma_start3A_265 = arith.constant 0 : i32
      %dma_start3A_266 = tpu.memref_slice %arg4[%add3A, %add3A_247, %dma_start3A_264, %dma_start3A_265] : memref<32x200x128x128xf32, #tpu.memory_space<hbm>> -> memref<1x1x128x64xf32, #tpu.memory_space<hbm>>
      %dma_start3A_267 = tpu.memref_squeeze %dma_start3A_266 : memref<1x1x128x64xf32, #tpu.memory_space<hbm>> -> memref<128x64xf32, #tpu.memory_space<hbm>>
      %dma_start3A_268 = arith.constant 0 : i32
      %dma_start3A_269 = arith.constant 0 : i32
      %dma_start3A_270 = tpu.memref_slice %arg4[%add3A, %add3A_247, %dma_start3A_268, %dma_start3A_269] : memref<32x200x128x128xf32, #tpu.memory_space<hbm>> -> memref<1x1x128x64xf32, #tpu.memory_space<hbm>>
      %dma_start3A_271 = tpu.memref_squeeze %dma_start3A_270 : memref<1x1x128x64xf32, #tpu.memory_space<hbm>> -> memref<128x64xf32, #tpu.memory_space<hbm>>
      %dma_start3A_272 = arith.constant 0 : i32
      %dma_start3A_273 = arith.constant 0 : i32
      %dma_start3A_274 = tpu.memref_slice %arg6[%dma_start3A_259, %dma_start3A_272, %dma_start3A_273] : memref<4x128x64xf32, #tpu.memory_space<vmem>> -> memref<1x128x64xf32, #tpu.memory_space<vmem>>
      %dma_start3A_275 = tpu.memref_squeeze %dma_start3A_274 : memref<1x128x64xf32, #tpu.memory_space<vmem>> -> memref<128x64xf32, #tpu.memory_space<vmem>>
      tpu.enqueue_dma source(%dma_start3A_275 : memref<128x64xf32, #tpu.memory_space<vmem>>) target(%dma_start3A_271 : memref<128x64xf32, #tpu.memory_space<hbm>>) target_semaphore(%arg11 : memref<!tpu.dma_semaphore, #tpu.memory_space<semaphore_mem>>)
      %dma_wait3A_276 = arith.constant 0 : i32
      %dma_wait3A_277 = arith.constant 0 : i32
      %dma_wait3A_278 = arith.constant 0 : i32
      %dma_wait3A_279 = tpu.memref_slice %arg6[%dma_wait3A_276, %dma_wait3A_277, %dma_wait3A_278] : memref<4x128x64xf32, #tpu.memory_space<vmem>> -> memref<1x128x64xf32, #tpu.memory_space<vmem>>
      %dma_wait3A_280 = tpu.memref_squeeze %dma_wait3A_279 : memref<1x128x64xf32, #tpu.memory_space<vmem>> -> memref<128x64xf32, #tpu.memory_space<vmem>>
      %dma_wait3A_281 = arith.constant 0 : i32
      %dma_wait3A_282 = arith.constant 0 : i32
      %dma_wait3A_283 = tpu.memref_slice %arg4[%add3A, %add3A_247, %dma_wait3A_281, %dma_wait3A_282] : memref<32x200x128x128xf32, #tpu.memory_space<hbm>> -> memref<1x1x128x64xf32, #tpu.memory_space<hbm>>
      %dma_wait3A_284 = tpu.memref_squeeze %dma_wait3A_283 : memref<1x1x128x64xf32, #tpu.memory_space<hbm>> -> memref<128x64xf32, #tpu.memory_space<hbm>>
      %dma_wait3A_285 = arith.constant 0 : i32
      %dma_wait3A_286 = arith.constant 0 : i32
      %dma_wait3A_287 = tpu.memref_slice %arg4[%add3A, %add3A_247, %dma_wait3A_285, %dma_wait3A_286] : memref<32x200x128x128xf32, #tpu.memory_space<hbm>> -> memref<1x1x128x64xf32, #tpu.memory_space<hbm>>
      %dma_wait3A_288 = tpu.memref_squeeze %dma_wait3A_287 : memref<1x1x128x64xf32, #tpu.memory_space<hbm>> -> memref<128x64xf32, #tpu.memory_space<hbm>>
      %dma_wait3A_289 = arith.constant 0 : i32
      %dma_wait3A_290 = arith.constant 0 : i32
      %dma_wait3A_291 = tpu.memref_slice %arg6[%dma_wait3A_276, %dma_wait3A_289, %dma_wait3A_290] : memref<4x128x64xf32, #tpu.memory_space<vmem>> -> memref<1x128x64xf32, #tpu.memory_space<vmem>>
      %dma_wait3A_292 = tpu.memref_squeeze %dma_wait3A_291 : memref<1x128x64xf32, #tpu.memory_space<vmem>> -> memref<128x64xf32, #tpu.memory_space<vmem>>
      tpu.wait_dma2 semaphore(%arg11 : memref<!tpu.dma_semaphore, #tpu.memory_space<semaphore_mem>>) src(%dma_wait3A_292 : memref<128x64xf32, #tpu.memory_space<vmem>>) dst(%dma_wait3A_288 : memref<128x64xf32, #tpu.memory_space<hbm>>)
      %add3A_293 = arith.constant 4 : i32
      %add3A_294 = arith.addi %add3A_247, %add3A_293 : i32
      %dma_start3A_295 = arith.constant 0 : i32
      %dma_start3A_296 = arith.constant 0 : i32
      %dma_start3A_297 = arith.constant 0 : i32
      %dma_start3A_298 = tpu.memref_slice %arg6[%dma_start3A_295, %dma_start3A_296, %dma_start3A_297] : memref<4x128x64xf32, #tpu.memory_space<vmem>> -> memref<1x128x64xf32, #tpu.memory_space<vmem>>
      %dma_start3A_299 = tpu.memref_squeeze %dma_start3A_298 : memref<1x128x64xf32, #tpu.memory_space<vmem>> -> memref<128x64xf32, #tpu.memory_space<vmem>>
      %dma_start3A_300 = arith.constant 0 : i32
      %dma_start3A_301 = tpu.memref_slice %arg5[%add3A_294, %dma_start3A_300] : memref<200x128xi32, #tpu.memory_space<vmem>> -> memref<1x128xi32, #tpu.memory_space<vmem>>
      %dma_start3A_302 = tpu.memref_squeeze %dma_start3A_301 : memref<1x128xi32, #tpu.memory_space<vmem>> -> memref<128xi32, #tpu.memory_space<vmem>>
      %dma_start3A_303 = arith.constant 0 : i32
      %dma_start3A_304 = arith.constant 0 : i32
      %dma_start3A_305 = tpu.memref_slice %arg3[%dma_start3A_303, %dma_start3A_304] : memref<1007616x64xf32, #tpu.memory_space<hbm>> -> memref<1007616x64xf32, #tpu.memory_space<hbm>>
      tpu.enqueue_indirect_dma source(%dma_start3A_305 : memref<1007616x64xf32, #tpu.memory_space<hbm>>) target(%dma_start3A_299 : memref<128x64xf32, #tpu.memory_space<vmem>>) offsets(%dma_start3A_302 : memref<128xi32, #tpu.memory_space<vmem>>) semaphore(%arg7 : memref<!tpu.dma_semaphore, #tpu.memory_space<semaphore_mem>>)
      %mul3A_306 = arith.constant 4 : i32
      %mul3A_307 = arith.muli %scan3A_243, %mul3A_306 : i32
      %add3A_308 = arith.constant 1 : i32
      %add3A_309 = arith.addi %mul3A_307, %add3A_308 : i32
      %dma_wait3A_310 = arith.constant 1 : i32
      %dma_wait3A_311 = arith.constant 0 : i32
      %dma_wait3A_312 = arith.constant 0 : i32
      %dma_wait3A_313 = tpu.memref_slice %arg6[%dma_wait3A_310, %dma_wait3A_311, %dma_wait3A_312] : memref<4x128x64xf32, #tpu.memory_space<vmem>> -> memref<1x128x64xf32, #tpu.memory_space<vmem>>
      %dma_wait3A_314 = tpu.memref_squeeze %dma_wait3A_313 : memref<1x128x64xf32, #tpu.memory_space<vmem>> -> memref<128x64xf32, #tpu.memory_space<vmem>>
      %dma_wait3A_315 = arith.constant 0 : i32
      %dma_wait3A_316 = tpu.memref_slice %arg5[%add3A_309, %dma_wait3A_315] : memref<200x128xi32, #tpu.memory_space<vmem>> -> memref<1x128xi32, #tpu.memory_space<vmem>>
      %dma_wait3A_317 = tpu.memref_squeeze %dma_wait3A_316 : memref<1x128xi32, #tpu.memory_space<vmem>> -> memref<128xi32, #tpu.memory_space<vmem>>
      %dma_wait3A_318 = arith.constant 0 : i32
      %dma_wait3A_319 = arith.constant 0 : i32
      %dma_wait3A_320 = tpu.memref_slice %arg3[%dma_wait3A_318, %dma_wait3A_319] : memref<1007616x64xf32, #tpu.memory_space<hbm>> -> memref<1007616x64xf32, #tpu.memory_space<hbm>>
      tpu.wait_indirect_dma semaphore(%arg8 : memref<!tpu.dma_semaphore, #tpu.memory_space<semaphore_mem>>) src(%dma_wait3A_320 : memref<1007616x64xf32, #tpu.memory_space<hbm>>) dst(%dma_wait3A_314 : memref<128x64xf32, #tpu.memory_space<vmem>>)
      %dma_start3A_321 = arith.constant 1 : i32
      %dma_start3A_322 = arith.constant 0 : i32
      %dma_start3A_323 = arith.constant 0 : i32
      %dma_start3A_324 = tpu.memref_slice %arg6[%dma_start3A_321, %dma_start3A_322, %dma_start3A_323] : memref<4x128x64xf32, #tpu.memory_space<vmem>> -> memref<1x128x64xf32, #tpu.memory_space<vmem>>
      %dma_start3A_325 = tpu.memref_squeeze %dma_start3A_324 : memref<1x128x64xf32, #tpu.memory_space<vmem>> -> memref<128x64xf32, #tpu.memory_space<vmem>>
      %dma_start3A_326 = arith.constant 0 : i32
      %dma_start3A_327 = arith.constant 0 : i32
      %dma_start3A_328 = tpu.memref_slice %arg4[%add3A, %add3A_309, %dma_start3A_326, %dma_start3A_327] : memref<32x200x128x128xf32, #tpu.memory_space<hbm>> -> memref<1x1x128x64xf32, #tpu.memory_space<hbm>>
      %dma_start3A_329 = tpu.memref_squeeze %dma_start3A_328 : memref<1x1x128x64xf32, #tpu.memory_space<hbm>> -> memref<128x64xf32, #tpu.memory_space<hbm>>
      %dma_start3A_330 = arith.constant 0 : i32
      %dma_start3A_331 = arith.constant 0 : i32
      %dma_start3A_332 = tpu.memref_slice %arg4[%add3A, %add3A_309, %dma_start3A_330, %dma_start3A_331] : memref<32x200x128x128xf32, #tpu.memory_space<hbm>> -> memref<1x1x128x64xf32, #tpu.memory_space<hbm>>
      %dma_start3A_333 = tpu.memref_squeeze %dma_start3A_332 : memref<1x1x128x64xf32, #tpu.memory_space<hbm>> -> memref<128x64xf32, #tpu.memory_space<hbm>>
      %dma_start3A_334 = arith.constant 0 : i32
      %dma_start3A_335 = arith.constant 0 : i32
      %dma_start3A_336 = tpu.memref_slice %arg6[%dma_start3A_321, %dma_start3A_334, %dma_start3A_335] : memref<4x128x64xf32, #tpu.memory_space<vmem>> -> memref<1x128x64xf32, #tpu.memory_space<vmem>>
      %dma_start3A_337 = tpu.memref_squeeze %dma_start3A_336 : memref<1x128x64xf32, #tpu.memory_space<vmem>> -> memref<128x64xf32, #tpu.memory_space<vmem>>
      tpu.enqueue_dma source(%dma_start3A_337 : memref<128x64xf32, #tpu.memory_space<vmem>>) target(%dma_start3A_333 : memref<128x64xf32, #tpu.memory_space<hbm>>) target_semaphore(%arg12 : memref<!tpu.dma_semaphore, #tpu.memory_space<semaphore_mem>>)
      %dma_wait3A_338 = arith.constant 1 : i32
      %dma_wait3A_339 = arith.constant 0 : i32
      %dma_wait3A_340 = arith.constant 0 : i32
      %dma_wait3A_341 = tpu.memref_slice %arg6[%dma_wait3A_338, %dma_wait3A_339, %dma_wait3A_340] : memref<4x128x64xf32, #tpu.memory_space<vmem>> -> memref<1x128x64xf32, #tpu.memory_space<vmem>>
      %dma_wait3A_342 = tpu.memref_squeeze %dma_wait3A_341 : memref<1x128x64xf32, #tpu.memory_space<vmem>> -> memref<128x64xf32, #tpu.memory_space<vmem>>
      %dma_wait3A_343 = arith.constant 0 : i32
      %dma_wait3A_344 = arith.constant 0 : i32
      %dma_wait3A_345 = tpu.memref_slice %arg4[%add3A, %add3A_309, %dma_wait3A_343, %dma_wait3A_344] : memref<32x200x128x128xf32, #tpu.memory_space<hbm>> -> memref<1x1x128x64xf32, #tpu.memory_space<hbm>>
      %dma_wait3A_346 = tpu.memref_squeeze %dma_wait3A_345 : memref<1x1x128x64xf32, #tpu.memory_space<hbm>> -> memref<128x64xf32, #tpu.memory_space<hbm>>
      %dma_wait3A_347 = arith.constant 0 : i32
      %dma_wait3A_348 = arith.constant 0 : i32
      %dma_wait3A_349 = tpu.memref_slice %arg4[%add3A, %add3A_309, %dma_wait3A_347, %dma_wait3A_348] : memref<32x200x128x128xf32, #tpu.memory_space<hbm>> -> memref<1x1x128x64xf32, #tpu.memory_space<hbm>>
      %dma_wait3A_350 = tpu.memref_squeeze %dma_wait3A_349 : memref<1x1x128x64xf32, #tpu.memory_space<hbm>> -> memref<128x64xf32, #tpu.memory_space<hbm>>
      %dma_wait3A_351 = arith.constant 0 : i32
      %dma_wait3A_352 = arith.constant 0 : i32
      %dma_wait3A_353 = tpu.memref_slice %arg6[%dma_wait3A_338, %dma_wait3A_351, %dma_wait3A_352] : memref<4x128x64xf32, #tpu.memory_space<vmem>> -> memref<1x128x64xf32, #tpu.memory_space<vmem>>
      %dma_wait3A_354 = tpu.memref_squeeze %dma_wait3A_353 : memref<1x128x64xf32, #tpu.memory_space<vmem>> -> memref<128x64xf32, #tpu.memory_space<vmem>>
      tpu.wait_dma2 semaphore(%arg12 : memref<!tpu.dma_semaphore, #tpu.memory_space<semaphore_mem>>) src(%dma_wait3A_354 : memref<128x64xf32, #tpu.memory_space<vmem>>) dst(%dma_wait3A_350 : memref<128x64xf32, #tpu.memory_space<hbm>>)
      %add3A_355 = arith.constant 4 : i32
      %add3A_356 = arith.addi %add3A_309, %add3A_355 : i32
      %dma_start3A_357 = arith.constant 1 : i32
      %dma_start3A_358 = arith.constant 0 : i32
      %dma_start3A_359 = arith.constant 0 : i32
      %dma_start3A_360 = tpu.memref_slice %arg6[%dma_start3A_357, %dma_start3A_358, %dma_start3A_359] : memref<4x128x64xf32, #tpu.memory_space<vmem>> -> memref<1x128x64xf32, #tpu.memory_space<vmem>>
      %dma_start3A_361 = tpu.memref_squeeze %dma_start3A_360 : memref<1x128x64xf32, #tpu.memory_space<vmem>> -> memref<128x64xf32, #tpu.memory_space<vmem>>
      %dma_start3A_362 = arith.constant 0 : i32
      %dma_start3A_363 = tpu.memref_slice %arg5[%add3A_356, %dma_start3A_362] : memref<200x128xi32, #tpu.memory_space<vmem>> -> memref<1x128xi32, #tpu.memory_space<vmem>>
      %dma_start3A_364 = tpu.memref_squeeze %dma_start3A_363 : memref<1x128xi32, #tpu.memory_space<vmem>> -> memref<128xi32, #tpu.memory_space<vmem>>
      %dma_start3A_365 = arith.constant 0 : i32
      %dma_start3A_366 = arith.constant 0 : i32
      %dma_start3A_367 = tpu.memref_slice %arg3[%dma_start3A_365, %dma_start3A_366] : memref<1007616x64xf32, #tpu.memory_space<hbm>> -> memref<1007616x64xf32, #tpu.memory_space<hbm>>
      tpu.enqueue_indirect_dma source(%dma_start3A_367 : memref<1007616x64xf32, #tpu.memory_space<hbm>>) target(%dma_start3A_361 : memref<128x64xf32, #tpu.memory_space<vmem>>) offsets(%dma_start3A_364 : memref<128xi32, #tpu.memory_space<vmem>>) semaphore(%arg8 : memref<!tpu.dma_semaphore, #tpu.memory_space<semaphore_mem>>)
      %mul3A_368 = arith.constant 4 : i32
      %mul3A_369 = arith.muli %scan3A_243, %mul3A_368 : i32
      %add3A_370 = arith.constant 2 : i32
      %add3A_371 = arith.addi %mul3A_369, %add3A_370 : i32
      %dma_wait3A_372 = arith.constant 2 : i32
      %dma_wait3A_373 = arith.constant 0 : i32
      %dma_wait3A_374 = arith.constant 0 : i32
      %dma_wait3A_375 = tpu.memref_slice %arg6[%dma_wait3A_372, %dma_wait3A_373, %dma_wait3A_374] : memref<4x128x64xf32, #tpu.memory_space<vmem>> -> memref<1x128x64xf32, #tpu.memory_space<vmem>>
      %dma_wait3A_376 = tpu.memref_squeeze %dma_wait3A_375 : memref<1x128x64xf32, #tpu.memory_space<vmem>> -> memref<128x64xf32, #tpu.memory_space<vmem>>
      %dma_wait3A_377 = arith.constant 0 : i32
      %dma_wait3A_378 = tpu.memref_slice %arg5[%add3A_371, %dma_wait3A_377] : memref<200x128xi32, #tpu.memory_space<vmem>> -> memref<1x128xi32, #tpu.memory_space<vmem>>
      %dma_wait3A_379 = tpu.memref_squeeze %dma_wait3A_378 : memref<1x128xi32, #tpu.memory_space<vmem>> -> memref<128xi32, #tpu.memory_space<vmem>>
      %dma_wait3A_380 = arith.constant 0 : i32
      %dma_wait3A_381 = arith.constant 0 : i32
      %dma_wait3A_382 = tpu.memref_slice %arg3[%dma_wait3A_380, %dma_wait3A_381] : memref<1007616x64xf32, #tpu.memory_space<hbm>> -> memref<1007616x64xf32, #tpu.memory_space<hbm>>
      tpu.wait_indirect_dma semaphore(%arg9 : memref<!tpu.dma_semaphore, #tpu.memory_space<semaphore_mem>>) src(%dma_wait3A_382 : memref<1007616x64xf32, #tpu.memory_space<hbm>>) dst(%dma_wait3A_376 : memref<128x64xf32, #tpu.memory_space<vmem>>)
      %dma_start3A_383 = arith.constant 2 : i32
      %dma_start3A_384 = arith.constant 0 : i32
      %dma_start3A_385 = arith.constant 0 : i32
      %dma_start3A_386 = tpu.memref_slice %arg6[%dma_start3A_383, %dma_start3A_384, %dma_start3A_385] : memref<4x128x64xf32, #tpu.memory_space<vmem>> -> memref<1x128x64xf32, #tpu.memory_space<vmem>>
      %dma_start3A_387 = tpu.memref_squeeze %dma_start3A_386 : memref<1x128x64xf32, #tpu.memory_space<vmem>> -> memref<128x64xf32, #tpu.memory_space<vmem>>
      %dma_start3A_388 = arith.constant 0 : i32
      %dma_start3A_389 = arith.constant 0 : i32
      %dma_start3A_390 = tpu.memref_slice %arg4[%add3A, %add3A_371, %dma_start3A_388, %dma_start3A_389] : memref<32x200x128x128xf32, #tpu.memory_space<hbm>> -> memref<1x1x128x64xf32, #tpu.memory_space<hbm>>
      %dma_start3A_391 = tpu.memref_squeeze %dma_start3A_390 : memref<1x1x128x64xf32, #tpu.memory_space<hbm>> -> memref<128x64xf32, #tpu.memory_space<hbm>>
      %dma_start3A_392 = arith.constant 0 : i32
      %dma_start3A_393 = arith.constant 0 : i32
      %dma_start3A_394 = tpu.memref_slice %arg4[%add3A, %add3A_371, %dma_start3A_392, %dma_start3A_393] : memref<32x200x128x128xf32, #tpu.memory_space<hbm>> -> memref<1x1x128x64xf32, #tpu.memory_space<hbm>>
      %dma_start3A_395 = tpu.memref_squeeze %dma_start3A_394 : memref<1x1x128x64xf32, #tpu.memory_space<hbm>> -> memref<128x64xf32, #tpu.memory_space<hbm>>
      %dma_start3A_396 = arith.constant 0 : i32
      %dma_start3A_397 = arith.constant 0 : i32
      %dma_start3A_398 = tpu.memref_slice %arg6[%dma_start3A_383, %dma_start3A_396, %dma_start3A_397] : memref<4x128x64xf32, #tpu.memory_space<vmem>> -> memref<1x128x64xf32, #tpu.memory_space<vmem>>
      %dma_start3A_399 = tpu.memref_squeeze %dma_start3A_398 : memref<1x128x64xf32, #tpu.memory_space<vmem>> -> memref<128x64xf32, #tpu.memory_space<vmem>>
      tpu.enqueue_dma source(%dma_start3A_399 : memref<128x64xf32, #tpu.memory_space<vmem>>) target(%dma_start3A_395 : memref<128x64xf32, #tpu.memory_space<hbm>>) target_semaphore(%arg13 : memref<!tpu.dma_semaphore, #tpu.memory_space<semaphore_mem>>)
      %dma_wait3A_400 = arith.constant 2 : i32
      %dma_wait3A_401 = arith.constant 0 : i32
      %dma_wait3A_402 = arith.constant 0 : i32
      %dma_wait3A_403 = tpu.memref_slice %arg6[%dma_wait3A_400, %dma_wait3A_401, %dma_wait3A_402] : memref<4x128x64xf32, #tpu.memory_space<vmem>> -> memref<1x128x64xf32, #tpu.memory_space<vmem>>
      %dma_wait3A_404 = tpu.memref_squeeze %dma_wait3A_403 : memref<1x128x64xf32, #tpu.memory_space<vmem>> -> memref<128x64xf32, #tpu.memory_space<vmem>>
      %dma_wait3A_405 = arith.constant 0 : i32
      %dma_wait3A_406 = arith.constant 0 : i32
      %dma_wait3A_407 = tpu.memref_slice %arg4[%add3A, %add3A_371, %dma_wait3A_405, %dma_wait3A_406] : memref<32x200x128x128xf32, #tpu.memory_space<hbm>> -> memref<1x1x128x64xf32, #tpu.memory_space<hbm>>
      %dma_wait3A_408 = tpu.memref_squeeze %dma_wait3A_407 : memref<1x1x128x64xf32, #tpu.memory_space<hbm>> -> memref<128x64xf32, #tpu.memory_space<hbm>>
      %dma_wait3A_409 = arith.constant 0 : i32
      %dma_wait3A_410 = arith.constant 0 : i32
      %dma_wait3A_411 = tpu.memref_slice %arg4[%add3A, %add3A_371, %dma_wait3A_409, %dma_wait3A_410] : memref<32x200x128x128xf32, #tpu.memory_space<hbm>> -> memref<1x1x128x64xf32, #tpu.memory_space<hbm>>
      %dma_wait3A_412 = tpu.memref_squeeze %dma_wait3A_411 : memref<1x1x128x64xf32, #tpu.memory_space<hbm>> -> memref<128x64xf32, #tpu.memory_space<hbm>>
      %dma_wait3A_413 = arith.constant 0 : i32
      %dma_wait3A_414 = arith.constant 0 : i32
      %dma_wait3A_415 = tpu.memref_slice %arg6[%dma_wait3A_400, %dma_wait3A_413, %dma_wait3A_414] : memref<4x128x64xf32, #tpu.memory_space<vmem>> -> memref<1x128x64xf32, #tpu.memory_space<vmem>>
      %dma_wait3A_416 = tpu.memref_squeeze %dma_wait3A_415 : memref<1x128x64xf32, #tpu.memory_space<vmem>> -> memref<128x64xf32, #tpu.memory_space<vmem>>
      tpu.wait_dma2 semaphore(%arg13 : memref<!tpu.dma_semaphore, #tpu.memory_space<semaphore_mem>>) src(%dma_wait3A_416 : memref<128x64xf32, #tpu.memory_space<vmem>>) dst(%dma_wait3A_412 : memref<128x64xf32, #tpu.memory_space<hbm>>)
      %add3A_417 = arith.constant 4 : i32
      %add3A_418 = arith.addi %add3A_371, %add3A_417 : i32
      %dma_start3A_419 = arith.constant 2 : i32
      %dma_start3A_420 = arith.constant 0 : i32
      %dma_start3A_421 = arith.constant 0 : i32
      %dma_start3A_422 = tpu.memref_slice %arg6[%dma_start3A_419, %dma_start3A_420, %dma_start3A_421] : memref<4x128x64xf32, #tpu.memory_space<vmem>> -> memref<1x128x64xf32, #tpu.memory_space<vmem>>
      %dma_start3A_423 = tpu.memref_squeeze %dma_start3A_422 : memref<1x128x64xf32, #tpu.memory_space<vmem>> -> memref<128x64xf32, #tpu.memory_space<vmem>>
      %dma_start3A_424 = arith.constant 0 : i32
      %dma_start3A_425 = tpu.memref_slice %arg5[%add3A_418, %dma_start3A_424] : memref<200x128xi32, #tpu.memory_space<vmem>> -> memref<1x128xi32, #tpu.memory_space<vmem>>
      %dma_start3A_426 = tpu.memref_squeeze %dma_start3A_425 : memref<1x128xi32, #tpu.memory_space<vmem>> -> memref<128xi32, #tpu.memory_space<vmem>>
      %dma_start3A_427 = arith.constant 0 : i32
      %dma_start3A_428 = arith.constant 0 : i32
      %dma_start3A_429 = tpu.memref_slice %arg3[%dma_start3A_427, %dma_start3A_428] : memref<1007616x64xf32, #tpu.memory_space<hbm>> -> memref<1007616x64xf32, #tpu.memory_space<hbm>>
      tpu.enqueue_indirect_dma source(%dma_start3A_429 : memref<1007616x64xf32, #tpu.memory_space<hbm>>) target(%dma_start3A_423 : memref<128x64xf32, #tpu.memory_space<vmem>>) offsets(%dma_start3A_426 : memref<128xi32, #tpu.memory_space<vmem>>) semaphore(%arg9 : memref<!tpu.dma_semaphore, #tpu.memory_space<semaphore_mem>>)
      %mul3A_430 = arith.constant 4 : i32
      %mul3A_431 = arith.muli %scan3A_243, %mul3A_430 : i32
      %add3A_432 = arith.constant 3 : i32
      %add3A_433 = arith.addi %mul3A_431, %add3A_432 : i32
      %dma_wait3A_434 = arith.constant 3 : i32
      %dma_wait3A_435 = arith.constant 0 : i32
      %dma_wait3A_436 = arith.constant 0 : i32
      %dma_wait3A_437 = tpu.memref_slice %arg6[%dma_wait3A_434, %dma_wait3A_435, %dma_wait3A_436] : memref<4x128x64xf32, #tpu.memory_space<vmem>> -> memref<1x128x64xf32, #tpu.memory_space<vmem>>
      %dma_wait3A_438 = tpu.memref_squeeze %dma_wait3A_437 : memref<1x128x64xf32, #tpu.memory_space<vmem>> -> memref<128x64xf32, #tpu.memory_space<vmem>>
      %dma_wait3A_439 = arith.constant 0 : i32
      %dma_wait3A_440 = tpu.memref_slice %arg5[%add3A_433, %dma_wait3A_439] : memref<200x128xi32, #tpu.memory_space<vmem>> -> memref<1x128xi32, #tpu.memory_space<vmem>>
      %dma_wait3A_441 = tpu.memref_squeeze %dma_wait3A_440 : memref<1x128xi32, #tpu.memory_space<vmem>> -> memref<128xi32, #tpu.memory_space<vmem>>
      %dma_wait3A_442 = arith.constant 0 : i32
      %dma_wait3A_443 = arith.constant 0 : i32
      %dma_wait3A_444 = tpu.memref_slice %arg3[%dma_wait3A_442, %dma_wait3A_443] : memref<1007616x64xf32, #tpu.memory_space<hbm>> -> memref<1007616x64xf32, #tpu.memory_space<hbm>>
      tpu.wait_indirect_dma semaphore(%arg10 : memref<!tpu.dma_semaphore, #tpu.memory_space<semaphore_mem>>) src(%dma_wait3A_444 : memref<1007616x64xf32, #tpu.memory_space<hbm>>) dst(%dma_wait3A_438 : memref<128x64xf32, #tpu.memory_space<vmem>>)
      %dma_start3A_445 = arith.constant 3 : i32
      %dma_start3A_446 = arith.constant 0 : i32
      %dma_start3A_447 = arith.constant 0 : i32
      %dma_start3A_448 = tpu.memref_slice %arg6[%dma_start3A_445, %dma_start3A_446, %dma_start3A_447] : memref<4x128x64xf32, #tpu.memory_space<vmem>> -> memref<1x128x64xf32, #tpu.memory_space<vmem>>
      %dma_start3A_449 = tpu.memref_squeeze %dma_start3A_448 : memref<1x128x64xf32, #tpu.memory_space<vmem>> -> memref<128x64xf32, #tpu.memory_space<vmem>>
      %dma_start3A_450 = arith.constant 0 : i32
      %dma_start3A_451 = arith.constant 0 : i32
      %dma_start3A_452 = tpu.memref_slice %arg4[%add3A, %add3A_433, %dma_start3A_450, %dma_start3A_451] : memref<32x200x128x128xf32, #tpu.memory_space<hbm>> -> memref<1x1x128x64xf32, #tpu.memory_space<hbm>>
      %dma_start3A_453 = tpu.memref_squeeze %dma_start3A_452 : memref<1x1x128x64xf32, #tpu.memory_space<hbm>> -> memref<128x64xf32, #tpu.memory_space<hbm>>
      %dma_start3A_454 = arith.constant 0 : i32
      %dma_start3A_455 = arith.constant 0 : i32
      %dma_start3A_456 = tpu.memref_slice %arg4[%add3A, %add3A_433, %dma_start3A_454, %dma_start3A_455] : memref<32x200x128x128xf32, #tpu.memory_space<hbm>> -> memref<1x1x128x64xf32, #tpu.memory_space<hbm>>
      %dma_start3A_457 = tpu.memref_squeeze %dma_start3A_456 : memref<1x1x128x64xf32, #tpu.memory_space<hbm>> -> memref<128x64xf32, #tpu.memory_space<hbm>>
      %dma_start3A_458 = arith.constant 0 : i32
      %dma_start3A_459 = arith.constant 0 : i32
      %dma_start3A_460 = tpu.memref_slice %arg6[%dma_start3A_445, %dma_start3A_458, %dma_start3A_459] : memref<4x128x64xf32, #tpu.memory_space<vmem>> -> memref<1x128x64xf32, #tpu.memory_space<vmem>>
      %dma_start3A_461 = tpu.memref_squeeze %dma_start3A_460 : memref<1x128x64xf32, #tpu.memory_space<vmem>> -> memref<128x64xf32, #tpu.memory_space<vmem>>
      tpu.enqueue_dma source(%dma_start3A_461 : memref<128x64xf32, #tpu.memory_space<vmem>>) target(%dma_start3A_457 : memref<128x64xf32, #tpu.memory_space<hbm>>) target_semaphore(%arg14 : memref<!tpu.dma_semaphore, #tpu.memory_space<semaphore_mem>>)
      %dma_wait3A_462 = arith.constant 3 : i32
      %dma_wait3A_463 = arith.constant 0 : i32
      %dma_wait3A_464 = arith.constant 0 : i32
      %dma_wait3A_465 = tpu.memref_slice %arg6[%dma_wait3A_462, %dma_wait3A_463, %dma_wait3A_464] : memref<4x128x64xf32, #tpu.memory_space<vmem>> -> memref<1x128x64xf32, #tpu.memory_space<vmem>>
      %dma_wait3A_466 = tpu.memref_squeeze %dma_wait3A_465 : memref<1x128x64xf32, #tpu.memory_space<vmem>> -> memref<128x64xf32, #tpu.memory_space<vmem>>
      %dma_wait3A_467 = arith.constant 0 : i32
      %dma_wait3A_468 = arith.constant 0 : i32
      %dma_wait3A_469 = tpu.memref_slice %arg4[%add3A, %add3A_433, %dma_wait3A_467, %dma_wait3A_468] : memref<32x200x128x128xf32, #tpu.memory_space<hbm>> -> memref<1x1x128x64xf32, #tpu.memory_space<hbm>>
      %dma_wait3A_470 = tpu.memref_squeeze %dma_wait3A_469 : memref<1x1x128x64xf32, #tpu.memory_space<hbm>> -> memref<128x64xf32, #tpu.memory_space<hbm>>
      %dma_wait3A_471 = arith.constant 0 : i32
      %dma_wait3A_472 = arith.constant 0 : i32
      %dma_wait3A_473 = tpu.memref_slice %arg4[%add3A, %add3A_433, %dma_wait3A_471, %dma_wait3A_472] : memref<32x200x128x128xf32, #tpu.memory_space<hbm>> -> memref<1x1x128x64xf32, #tpu.memory_space<hbm>>
      %dma_wait3A_474 = tpu.memref_squeeze %dma_wait3A_473 : memref<1x1x128x64xf32, #tpu.memory_space<hbm>> -> memref<128x64xf32, #tpu.memory_space<hbm>>
      %dma_wait3A_475 = arith.constant 0 : i32
      %dma_wait3A_476 = arith.constant 0 : i32
      %dma_wait3A_477 = tpu.memref_slice %arg6[%dma_wait3A_462, %dma_wait3A_475, %dma_wait3A_476] : memref<4x128x64xf32, #tpu.memory_space<vmem>> -> memref<1x128x64xf32, #tpu.memory_space<vmem>>
      %dma_wait3A_478 = tpu.memref_squeeze %dma_wait3A_477 : memref<1x128x64xf32, #tpu.memory_space<vmem>> -> memref<128x64xf32, #tpu.memory_space<vmem>>
      tpu.wait_dma2 semaphore(%arg14 : memref<!tpu.dma_semaphore, #tpu.memory_space<semaphore_mem>>) src(%dma_wait3A_478 : memref<128x64xf32, #tpu.memory_space<vmem>>) dst(%dma_wait3A_474 : memref<128x64xf32, #tpu.memory_space<hbm>>)
      %add3A_479 = arith.constant 4 : i32
      %add3A_480 = arith.addi %add3A_433, %add3A_479 : i32
      %dma_start3A_481 = arith.constant 3 : i32
      %dma_start3A_482 = arith.constant 0 : i32
      %dma_start3A_483 = arith.constant 0 : i32
      %dma_start3A_484 = tpu.memref_slice %arg6[%dma_start3A_481, %dma_start3A_482, %dma_start3A_483] : memref<4x128x64xf32, #tpu.memory_space<vmem>> -> memref<1x128x64xf32, #tpu.memory_space<vmem>>
      %dma_start3A_485 = tpu.memref_squeeze %dma_start3A_484 : memref<1x128x64xf32, #tpu.memory_space<vmem>> -> memref<128x64xf32, #tpu.memory_space<vmem>>
      %dma_start3A_486 = arith.constant 0 : i32
      %dma_start3A_487 = tpu.memref_slice %arg5[%add3A_480, %dma_start3A_486] : memref<200x128xi32, #tpu.memory_space<vmem>> -> memref<1x128xi32, #tpu.memory_space<vmem>>
      %dma_start3A_488 = tpu.memref_squeeze %dma_start3A_487 : memref<1x128xi32, #tpu.memory_space<vmem>> -> memref<128xi32, #tpu.memory_space<vmem>>
      %dma_start3A_489 = arith.constant 0 : i32
      %dma_start3A_490 = arith.constant 0 : i32
      %dma_start3A_491 = tpu.memref_slice %arg3[%dma_start3A_489, %dma_start3A_490] : memref<1007616x64xf32, #tpu.memory_space<hbm>> -> memref<1007616x64xf32, #tpu.memory_space<hbm>>
      tpu.enqueue_indirect_dma source(%dma_start3A_491 : memref<1007616x64xf32, #tpu.memory_space<hbm>>) target(%dma_start3A_485 : memref<128x64xf32, #tpu.memory_space<vmem>>) offsets(%dma_start3A_488 : memref<128xi32, #tpu.memory_space<vmem>>) semaphore(%arg10 : memref<!tpu.dma_semaphore, #tpu.memory_space<semaphore_mem>>)
    }
    %scan3A_51 = arith.constant 49 : i32
    %dma_wait3A = arith.constant 196 : i32
    %dma_wait3A_52 = arith.constant 0 : i32
    %dma_wait3A_53 = arith.constant 0 : i32
    %dma_wait3A_54 = arith.constant 0 : i32
    %dma_wait3A_55 = tpu.memref_slice %arg6[%dma_wait3A_52, %dma_wait3A_53, %dma_wait3A_54] : memref<4x128x64xf32, #tpu.memory_space<vmem>> -> memref<1x128x64xf32, #tpu.memory_space<vmem>>
    %dma_wait3A_56 = tpu.memref_squeeze %dma_wait3A_55 : memref<1x128x64xf32, #tpu.memory_space<vmem>> -> memref<128x64xf32, #tpu.memory_space<vmem>>
    %dma_wait3A_57 = arith.constant 0 : i32
    %dma_wait3A_58 = tpu.memref_slice %arg5[%dma_wait3A, %dma_wait3A_57] : memref<200x128xi32, #tpu.memory_space<vmem>> -> memref<1x128xi32, #tpu.memory_space<vmem>>
    %dma_wait3A_59 = tpu.memref_squeeze %dma_wait3A_58 : memref<1x128xi32, #tpu.memory_space<vmem>> -> memref<128xi32, #tpu.memory_space<vmem>>
    %dma_wait3A_60 = arith.constant 0 : i32
    %dma_wait3A_61 = arith.constant 0 : i32
    %dma_wait3A_62 = tpu.memref_slice %arg3[%dma_wait3A_60, %dma_wait3A_61] : memref<1007616x64xf32, #tpu.memory_space<hbm>> -> memref<1007616x64xf32, #tpu.memory_space<hbm>>
    tpu.wait_indirect_dma semaphore(%arg7 : memref<!tpu.dma_semaphore, #tpu.memory_space<semaphore_mem>>) src(%dma_wait3A_62 : memref<1007616x64xf32, #tpu.memory_space<hbm>>) dst(%dma_wait3A_56 : memref<128x64xf32, #tpu.memory_space<vmem>>)
    %dma_start3A_63 = arith.constant 0 : i32
    %dma_start3A_64 = arith.constant 196 : i32
    %dma_start3A_65 = arith.constant 0 : i32
    %dma_start3A_66 = arith.constant 0 : i32
    %dma_start3A_67 = tpu.memref_slice %arg6[%dma_start3A_63, %dma_start3A_65, %dma_start3A_66] : memref<4x128x64xf32, #tpu.memory_space<vmem>> -> memref<1x128x64xf32, #tpu.memory_space<vmem>>
    %dma_start3A_68 = tpu.memref_squeeze %dma_start3A_67 : memref<1x128x64xf32, #tpu.memory_space<vmem>> -> memref<128x64xf32, #tpu.memory_space<vmem>>
    %dma_start3A_69 = arith.constant 0 : i32
    %dma_start3A_70 = arith.constant 0 : i32
    %dma_start3A_71 = tpu.memref_slice %arg4[%add3A, %dma_start3A_64, %dma_start3A_69, %dma_start3A_70] : memref<32x200x128x128xf32, #tpu.memory_space<hbm>> -> memref<1x1x128x64xf32, #tpu.memory_space<hbm>>
    %dma_start3A_72 = tpu.memref_squeeze %dma_start3A_71 : memref<1x1x128x64xf32, #tpu.memory_space<hbm>> -> memref<128x64xf32, #tpu.memory_space<hbm>>
    %dma_start3A_73 = arith.constant 0 : i32
    %dma_start3A_74 = arith.constant 0 : i32
    %dma_start3A_75 = tpu.memref_slice %arg4[%add3A, %dma_start3A_64, %dma_start3A_73, %dma_start3A_74] : memref<32x200x128x128xf32, #tpu.memory_space<hbm>> -> memref<1x1x128x64xf32, #tpu.memory_space<hbm>>
    %dma_start3A_76 = tpu.memref_squeeze %dma_start3A_75 : memref<1x1x128x64xf32, #tpu.memory_space<hbm>> -> memref<128x64xf32, #tpu.memory_space<hbm>>
    %dma_start3A_77 = arith.constant 0 : i32
    %dma_start3A_78 = arith.constant 0 : i32
    %dma_start3A_79 = tpu.memref_slice %arg6[%dma_start3A_63, %dma_start3A_77, %dma_start3A_78] : memref<4x128x64xf32, #tpu.memory_space<vmem>> -> memref<1x128x64xf32, #tpu.memory_space<vmem>>
    %dma_start3A_80 = tpu.memref_squeeze %dma_start3A_79 : memref<1x128x64xf32, #tpu.memory_space<vmem>> -> memref<128x64xf32, #tpu.memory_space<vmem>>
    tpu.enqueue_dma source(%dma_start3A_80 : memref<128x64xf32, #tpu.memory_space<vmem>>) target(%dma_start3A_76 : memref<128x64xf32, #tpu.memory_space<hbm>>) target_semaphore(%arg11 : memref<!tpu.dma_semaphore, #tpu.memory_space<semaphore_mem>>)
    %dma_wait3A_81 = arith.constant 197 : i32
    %dma_wait3A_82 = arith.constant 1 : i32
    %dma_wait3A_83 = arith.constant 0 : i32
    %dma_wait3A_84 = arith.constant 0 : i32
    %dma_wait3A_85 = tpu.memref_slice %arg6[%dma_wait3A_82, %dma_wait3A_83, %dma_wait3A_84] : memref<4x128x64xf32, #tpu.memory_space<vmem>> -> memref<1x128x64xf32, #tpu.memory_space<vmem>>
    %dma_wait3A_86 = tpu.memref_squeeze %dma_wait3A_85 : memref<1x128x64xf32, #tpu.memory_space<vmem>> -> memref<128x64xf32, #tpu.memory_space<vmem>>
    %dma_wait3A_87 = arith.constant 0 : i32
    %dma_wait3A_88 = tpu.memref_slice %arg5[%dma_wait3A_81, %dma_wait3A_87] : memref<200x128xi32, #tpu.memory_space<vmem>> -> memref<1x128xi32, #tpu.memory_space<vmem>>
    %dma_wait3A_89 = tpu.memref_squeeze %dma_wait3A_88 : memref<1x128xi32, #tpu.memory_space<vmem>> -> memref<128xi32, #tpu.memory_space<vmem>>
    %dma_wait3A_90 = arith.constant 0 : i32
    %dma_wait3A_91 = arith.constant 0 : i32
    %dma_wait3A_92 = tpu.memref_slice %arg3[%dma_wait3A_90, %dma_wait3A_91] : memref<1007616x64xf32, #tpu.memory_space<hbm>> -> memref<1007616x64xf32, #tpu.memory_space<hbm>>
    tpu.wait_indirect_dma semaphore(%arg8 : memref<!tpu.dma_semaphore, #tpu.memory_space<semaphore_mem>>) src(%dma_wait3A_92 : memref<1007616x64xf32, #tpu.memory_space<hbm>>) dst(%dma_wait3A_86 : memref<128x64xf32, #tpu.memory_space<vmem>>)
    %dma_start3A_93 = arith.constant 1 : i32
    %dma_start3A_94 = arith.constant 197 : i32
    %dma_start3A_95 = arith.constant 0 : i32
    %dma_start3A_96 = arith.constant 0 : i32
    %dma_start3A_97 = tpu.memref_slice %arg6[%dma_start3A_93, %dma_start3A_95, %dma_start3A_96] : memref<4x128x64xf32, #tpu.memory_space<vmem>> -> memref<1x128x64xf32, #tpu.memory_space<vmem>>
    %dma_start3A_98 = tpu.memref_squeeze %dma_start3A_97 : memref<1x128x64xf32, #tpu.memory_space<vmem>> -> memref<128x64xf32, #tpu.memory_space<vmem>>
    %dma_start3A_99 = arith.constant 0 : i32
    %dma_start3A_100 = arith.constant 0 : i32
    %dma_start3A_101 = tpu.memref_slice %arg4[%add3A, %dma_start3A_94, %dma_start3A_99, %dma_start3A_100] : memref<32x200x128x128xf32, #tpu.memory_space<hbm>> -> memref<1x1x128x64xf32, #tpu.memory_space<hbm>>
    %dma_start3A_102 = tpu.memref_squeeze %dma_start3A_101 : memref<1x1x128x64xf32, #tpu.memory_space<hbm>> -> memref<128x64xf32, #tpu.memory_space<hbm>>
    %dma_start3A_103 = arith.constant 0 : i32
    %dma_start3A_104 = arith.constant 0 : i32
    %dma_start3A_105 = tpu.memref_slice %arg4[%add3A, %dma_start3A_94, %dma_start3A_103, %dma_start3A_104] : memref<32x200x128x128xf32, #tpu.memory_space<hbm>> -> memref<1x1x128x64xf32, #tpu.memory_space<hbm>>
    %dma_start3A_106 = tpu.memref_squeeze %dma_start3A_105 : memref<1x1x128x64xf32, #tpu.memory_space<hbm>> -> memref<128x64xf32, #tpu.memory_space<hbm>>
    %dma_start3A_107 = arith.constant 0 : i32
    %dma_start3A_108 = arith.constant 0 : i32
    %dma_start3A_109 = tpu.memref_slice %arg6[%dma_start3A_93, %dma_start3A_107, %dma_start3A_108] : memref<4x128x64xf32, #tpu.memory_space<vmem>> -> memref<1x128x64xf32, #tpu.memory_space<vmem>>
    %dma_start3A_110 = tpu.memref_squeeze %dma_start3A_109 : memref<1x128x64xf32, #tpu.memory_space<vmem>> -> memref<128x64xf32, #tpu.memory_space<vmem>>
    tpu.enqueue_dma source(%dma_start3A_110 : memref<128x64xf32, #tpu.memory_space<vmem>>) target(%dma_start3A_106 : memref<128x64xf32, #tpu.memory_space<hbm>>) target_semaphore(%arg12 : memref<!tpu.dma_semaphore, #tpu.memory_space<semaphore_mem>>)
    %dma_wait3A_111 = arith.constant 198 : i32
    %dma_wait3A_112 = arith.constant 2 : i32
    %dma_wait3A_113 = arith.constant 0 : i32
    %dma_wait3A_114 = arith.constant 0 : i32
    %dma_wait3A_115 = tpu.memref_slice %arg6[%dma_wait3A_112, %dma_wait3A_113, %dma_wait3A_114] : memref<4x128x64xf32, #tpu.memory_space<vmem>> -> memref<1x128x64xf32, #tpu.memory_space<vmem>>
    %dma_wait3A_116 = tpu.memref_squeeze %dma_wait3A_115 : memref<1x128x64xf32, #tpu.memory_space<vmem>> -> memref<128x64xf32, #tpu.memory_space<vmem>>
    %dma_wait3A_117 = arith.constant 0 : i32
    %dma_wait3A_118 = tpu.memref_slice %arg5[%dma_wait3A_111, %dma_wait3A_117] : memref<200x128xi32, #tpu.memory_space<vmem>> -> memref<1x128xi32, #tpu.memory_space<vmem>>
    %dma_wait3A_119 = tpu.memref_squeeze %dma_wait3A_118 : memref<1x128xi32, #tpu.memory_space<vmem>> -> memref<128xi32, #tpu.memory_space<vmem>>
    %dma_wait3A_120 = arith.constant 0 : i32
    %dma_wait3A_121 = arith.constant 0 : i32
    %dma_wait3A_122 = tpu.memref_slice %arg3[%dma_wait3A_120, %dma_wait3A_121] : memref<1007616x64xf32, #tpu.memory_space<hbm>> -> memref<1007616x64xf32, #tpu.memory_space<hbm>>
    tpu.wait_indirect_dma semaphore(%arg9 : memref<!tpu.dma_semaphore, #tpu.memory_space<semaphore_mem>>) src(%dma_wait3A_122 : memref<1007616x64xf32, #tpu.memory_space<hbm>>) dst(%dma_wait3A_116 : memref<128x64xf32, #tpu.memory_space<vmem>>)
    %dma_start3A_123 = arith.constant 2 : i32
    %dma_start3A_124 = arith.constant 198 : i32
    %dma_start3A_125 = arith.constant 0 : i32
    %dma_start3A_126 = arith.constant 0 : i32
    %dma_start3A_127 = tpu.memref_slice %arg6[%dma_start3A_123, %dma_start3A_125, %dma_start3A_126] : memref<4x128x64xf32, #tpu.memory_space<vmem>> -> memref<1x128x64xf32, #tpu.memory_space<vmem>>
    %dma_start3A_128 = tpu.memref_squeeze %dma_start3A_127 : memref<1x128x64xf32, #tpu.memory_space<vmem>> -> memref<128x64xf32, #tpu.memory_space<vmem>>
    %dma_start3A_129 = arith.constant 0 : i32
    %dma_start3A_130 = arith.constant 0 : i32
    %dma_start3A_131 = tpu.memref_slice %arg4[%add3A, %dma_start3A_124, %dma_start3A_129, %dma_start3A_130] : memref<32x200x128x128xf32, #tpu.memory_space<hbm>> -> memref<1x1x128x64xf32, #tpu.memory_space<hbm>>
    %dma_start3A_132 = tpu.memref_squeeze %dma_start3A_131 : memref<1x1x128x64xf32, #tpu.memory_space<hbm>> -> memref<128x64xf32, #tpu.memory_space<hbm>>
    %dma_start3A_133 = arith.constant 0 : i32
    %dma_start3A_134 = arith.constant 0 : i32
    %dma_start3A_135 = tpu.memref_slice %arg4[%add3A, %dma_start3A_124, %dma_start3A_133, %dma_start3A_134] : memref<32x200x128x128xf32, #tpu.memory_space<hbm>> -> memref<1x1x128x64xf32, #tpu.memory_space<hbm>>
    %dma_start3A_136 = tpu.memref_squeeze %dma_start3A_135 : memref<1x1x128x64xf32, #tpu.memory_space<hbm>> -> memref<128x64xf32, #tpu.memory_space<hbm>>
    %dma_start3A_137 = arith.constant 0 : i32
    %dma_start3A_138 = arith.constant 0 : i32
    %dma_start3A_139 = tpu.memref_slice %arg6[%dma_start3A_123, %dma_start3A_137, %dma_start3A_138] : memref<4x128x64xf32, #tpu.memory_space<vmem>> -> memref<1x128x64xf32, #tpu.memory_space<vmem>>
    %dma_start3A_140 = tpu.memref_squeeze %dma_start3A_139 : memref<1x128x64xf32, #tpu.memory_space<vmem>> -> memref<128x64xf32, #tpu.memory_space<vmem>>
    tpu.enqueue_dma source(%dma_start3A_140 : memref<128x64xf32, #tpu.memory_space<vmem>>) target(%dma_start3A_136 : memref<128x64xf32, #tpu.memory_space<hbm>>) target_semaphore(%arg13 : memref<!tpu.dma_semaphore, #tpu.memory_space<semaphore_mem>>)
    %dma_wait3A_141 = arith.constant 199 : i32
    %dma_wait3A_142 = arith.constant 3 : i32
    %dma_wait3A_143 = arith.constant 0 : i32
    %dma_wait3A_144 = arith.constant 0 : i32
    %dma_wait3A_145 = tpu.memref_slice %arg6[%dma_wait3A_142, %dma_wait3A_143, %dma_wait3A_144] : memref<4x128x64xf32, #tpu.memory_space<vmem>> -> memref<1x128x64xf32, #tpu.memory_space<vmem>>
    %dma_wait3A_146 = tpu.memref_squeeze %dma_wait3A_145 : memref<1x128x64xf32, #tpu.memory_space<vmem>> -> memref<128x64xf32, #tpu.memory_space<vmem>>
    %dma_wait3A_147 = arith.constant 0 : i32
    %dma_wait3A_148 = tpu.memref_slice %arg5[%dma_wait3A_141, %dma_wait3A_147] : memref<200x128xi32, #tpu.memory_space<vmem>> -> memref<1x128xi32, #tpu.memory_space<vmem>>
    %dma_wait3A_149 = tpu.memref_squeeze %dma_wait3A_148 : memref<1x128xi32, #tpu.memory_space<vmem>> -> memref<128xi32, #tpu.memory_space<vmem>>
    %dma_wait3A_150 = arith.constant 0 : i32
    %dma_wait3A_151 = arith.constant 0 : i32
    %dma_wait3A_152 = tpu.memref_slice %arg3[%dma_wait3A_150, %dma_wait3A_151] : memref<1007616x64xf32, #tpu.memory_space<hbm>> -> memref<1007616x64xf32, #tpu.memory_space<hbm>>
    tpu.wait_indirect_dma semaphore(%arg10 : memref<!tpu.dma_semaphore, #tpu.memory_space<semaphore_mem>>) src(%dma_wait3A_152 : memref<1007616x64xf32, #tpu.memory_space<hbm>>) dst(%dma_wait3A_146 : memref<128x64xf32, #tpu.memory_space<vmem>>)
    %dma_start3A_153 = arith.constant 3 : i32
    %dma_start3A_154 = arith.constant 199 : i32
    %dma_start3A_155 = arith.constant 0 : i32
    %dma_start3A_156 = arith.constant 0 : i32
    %dma_start3A_157 = tpu.memref_slice %arg6[%dma_start3A_153, %dma_start3A_155, %dma_start3A_156] : memref<4x128x64xf32, #tpu.memory_space<vmem>> -> memref<1x128x64xf32, #tpu.memory_space<vmem>>
    %dma_start3A_158 = tpu.memref_squeeze %dma_start3A_157 : memref<1x128x64xf32, #tpu.memory_space<vmem>> -> memref<128x64xf32, #tpu.memory_space<vmem>>
    %dma_start3A_159 = arith.constant 0 : i32
    %dma_start3A_160 = arith.constant 0 : i32
    %dma_start3A_161 = tpu.memref_slice %arg4[%add3A, %dma_start3A_154, %dma_start3A_159, %dma_start3A_160] : memref<32x200x128x128xf32, #tpu.memory_space<hbm>> -> memref<1x1x128x64xf32, #tpu.memory_space<hbm>>
    %dma_start3A_162 = tpu.memref_squeeze %dma_start3A_161 : memref<1x1x128x64xf32, #tpu.memory_space<hbm>> -> memref<128x64xf32, #tpu.memory_space<hbm>>
    %dma_start3A_163 = arith.constant 0 : i32
    %dma_start3A_164 = arith.constant 0 : i32
    %dma_start3A_165 = tpu.memref_slice %arg4[%add3A, %dma_start3A_154, %dma_start3A_163, %dma_start3A_164] : memref<32x200x128x128xf32, #tpu.memory_space<hbm>> -> memref<1x1x128x64xf32, #tpu.memory_space<hbm>>
    %dma_start3A_166 = tpu.memref_squeeze %dma_start3A_165 : memref<1x1x128x64xf32, #tpu.memory_space<hbm>> -> memref<128x64xf32, #tpu.memory_space<hbm>>
    %dma_start3A_167 = arith.constant 0 : i32
    %dma_start3A_168 = arith.constant 0 : i32
    %dma_start3A_169 = tpu.memref_slice %arg6[%dma_start3A_153, %dma_start3A_167, %dma_start3A_168] : memref<4x128x64xf32, #tpu.memory_space<vmem>> -> memref<1x128x64xf32, #tpu.memory_space<vmem>>
    %dma_start3A_170 = tpu.memref_squeeze %dma_start3A_169 : memref<1x128x64xf32, #tpu.memory_space<vmem>> -> memref<128x64xf32, #tpu.memory_space<vmem>>
    tpu.enqueue_dma source(%dma_start3A_170 : memref<128x64xf32, #tpu.memory_space<vmem>>) target(%dma_start3A_166 : memref<128x64xf32, #tpu.memory_space<hbm>>) target_semaphore(%arg14 : memref<!tpu.dma_semaphore, #tpu.memory_space<semaphore_mem>>)
    %dma_wait3A_171 = arith.constant 0 : i32
    %dma_wait3A_172 = arith.constant 196 : i32
    %dma_wait3A_173 = arith.constant 0 : i32
    %dma_wait3A_174 = arith.constant 0 : i32
    %dma_wait3A_175 = tpu.memref_slice %arg6[%dma_wait3A_171, %dma_wait3A_173, %dma_wait3A_174] : memref<4x128x64xf32, #tpu.memory_space<vmem>> -> memref<1x128x64xf32, #tpu.memory_space<vmem>>
    %dma_wait3A_176 = tpu.memref_squeeze %dma_wait3A_175 : memref<1x128x64xf32, #tpu.memory_space<vmem>> -> memref<128x64xf32, #tpu.memory_space<vmem>>
    %dma_wait3A_177 = arith.constant 0 : i32
    %dma_wait3A_178 = arith.constant 0 : i32
    %dma_wait3A_179 = tpu.memref_slice %arg4[%add3A, %dma_wait3A_172, %dma_wait3A_177, %dma_wait3A_178] : memref<32x200x128x128xf32, #tpu.memory_space<hbm>> -> memref<1x1x128x64xf32, #tpu.memory_space<hbm>>
    %dma_wait3A_180 = tpu.memref_squeeze %dma_wait3A_179 : memref<1x1x128x64xf32, #tpu.memory_space<hbm>> -> memref<128x64xf32, #tpu.memory_space<hbm>>
    %dma_wait3A_181 = arith.constant 0 : i32
    %dma_wait3A_182 = arith.constant 0 : i32
    %dma_wait3A_183 = tpu.memref_slice %arg4[%add3A, %dma_wait3A_172, %dma_wait3A_181, %dma_wait3A_182] : memref<32x200x128x128xf32, #tpu.memory_space<hbm>> -> memref<1x1x128x64xf32, #tpu.memory_space<hbm>>
    %dma_wait3A_184 = tpu.memref_squeeze %dma_wait3A_183 : memref<1x1x128x64xf32, #tpu.memory_space<hbm>> -> memref<128x64xf32, #tpu.memory_space<hbm>>
    %dma_wait3A_185 = arith.constant 0 : i32
    %dma_wait3A_186 = arith.constant 0 : i32
    %dma_wait3A_187 = tpu.memref_slice %arg6[%dma_wait3A_171, %dma_wait3A_185, %dma_wait3A_186] : memref<4x128x64xf32, #tpu.memory_space<vmem>> -> memref<1x128x64xf32, #tpu.memory_space<vmem>>
    %dma_wait3A_188 = tpu.memref_squeeze %dma_wait3A_187 : memref<1x128x64xf32, #tpu.memory_space<vmem>> -> memref<128x64xf32, #tpu.memory_space<vmem>>
    tpu.wait_dma2 semaphore(%arg11 : memref<!tpu.dma_semaphore, #tpu.memory_space<semaphore_mem>>) src(%dma_wait3A_188 : memref<128x64xf32, #tpu.memory_space<vmem>>) dst(%dma_wait3A_184 : memref<128x64xf32, #tpu.memory_space<hbm>>)
    %dma_wait3A_189 = arith.constant 1 : i32
    %dma_wait3A_190 = arith.constant 197 : i32
    %dma_wait3A_191 = arith.constant 0 : i32
    %dma_wait3A_192 = arith.constant 0 : i32
    %dma_wait3A_193 = tpu.memref_slice %arg6[%dma_wait3A_189, %dma_wait3A_191, %dma_wait3A_192] : memref<4x128x64xf32, #tpu.memory_space<vmem>> -> memref<1x128x64xf32, #tpu.memory_space<vmem>>
    %dma_wait3A_194 = tpu.memref_squeeze %dma_wait3A_193 : memref<1x128x64xf32, #tpu.memory_space<vmem>> -> memref<128x64xf32, #tpu.memory_space<vmem>>
    %dma_wait3A_195 = arith.constant 0 : i32
    %dma_wait3A_196 = arith.constant 0 : i32
    %dma_wait3A_197 = tpu.memref_slice %arg4[%add3A, %dma_wait3A_190, %dma_wait3A_195, %dma_wait3A_196] : memref<32x200x128x128xf32, #tpu.memory_space<hbm>> -> memref<1x1x128x64xf32, #tpu.memory_space<hbm>>
    %dma_wait3A_198 = tpu.memref_squeeze %dma_wait3A_197 : memref<1x1x128x64xf32, #tpu.memory_space<hbm>> -> memref<128x64xf32, #tpu.memory_space<hbm>>
    %dma_wait3A_199 = arith.constant 0 : i32
    %dma_wait3A_200 = arith.constant 0 : i32
    %dma_wait3A_201 = tpu.memref_slice %arg4[%add3A, %dma_wait3A_190, %dma_wait3A_199, %dma_wait3A_200] : memref<32x200x128x128xf32, #tpu.memory_space<hbm>> -> memref<1x1x128x64xf32, #tpu.memory_space<hbm>>
    %dma_wait3A_202 = tpu.memref_squeeze %dma_wait3A_201 : memref<1x1x128x64xf32, #tpu.memory_space<hbm>> -> memref<128x64xf32, #tpu.memory_space<hbm>>
    %dma_wait3A_203 = arith.constant 0 : i32
    %dma_wait3A_204 = arith.constant 0 : i32
    %dma_wait3A_205 = tpu.memref_slice %arg6[%dma_wait3A_189, %dma_wait3A_203, %dma_wait3A_204] : memref<4x128x64xf32, #tpu.memory_space<vmem>> -> memref<1x128x64xf32, #tpu.memory_space<vmem>>
    %dma_wait3A_206 = tpu.memref_squeeze %dma_wait3A_205 : memref<1x128x64xf32, #tpu.memory_space<vmem>> -> memref<128x64xf32, #tpu.memory_space<vmem>>
    tpu.wait_dma2 semaphore(%arg12 : memref<!tpu.dma_semaphore, #tpu.memory_space<semaphore_mem>>) src(%dma_wait3A_206 : memref<128x64xf32, #tpu.memory_space<vmem>>) dst(%dma_wait3A_202 : memref<128x64xf32, #tpu.memory_space<hbm>>)
    %dma_wait3A_207 = arith.constant 2 : i32
    %dma_wait3A_208 = arith.constant 198 : i32
    %dma_wait3A_209 = arith.constant 0 : i32
    %dma_wait3A_210 = arith.constant 0 : i32
    %dma_wait3A_211 = tpu.memref_slice %arg6[%dma_wait3A_207, %dma_wait3A_209, %dma_wait3A_210] : memref<4x128x64xf32, #tpu.memory_space<vmem>> -> memref<1x128x64xf32, #tpu.memory_space<vmem>>
    %dma_wait3A_212 = tpu.memref_squeeze %dma_wait3A_211 : memref<1x128x64xf32, #tpu.memory_space<vmem>> -> memref<128x64xf32, #tpu.memory_space<vmem>>
    %dma_wait3A_213 = arith.constant 0 : i32
    %dma_wait3A_214 = arith.constant 0 : i32
    %dma_wait3A_215 = tpu.memref_slice %arg4[%add3A, %dma_wait3A_208, %dma_wait3A_213, %dma_wait3A_214] : memref<32x200x128x128xf32, #tpu.memory_space<hbm>> -> memref<1x1x128x64xf32, #tpu.memory_space<hbm>>
    %dma_wait3A_216 = tpu.memref_squeeze %dma_wait3A_215 : memref<1x1x128x64xf32, #tpu.memory_space<hbm>> -> memref<128x64xf32, #tpu.memory_space<hbm>>
    %dma_wait3A_217 = arith.constant 0 : i32
    %dma_wait3A_218 = arith.constant 0 : i32
    %dma_wait3A_219 = tpu.memref_slice %arg4[%add3A, %dma_wait3A_208, %dma_wait3A_217, %dma_wait3A_218] : memref<32x200x128x128xf32, #tpu.memory_space<hbm>> -> memref<1x1x128x64xf32, #tpu.memory_space<hbm>>
    %dma_wait3A_220 = tpu.memref_squeeze %dma_wait3A_219 : memref<1x1x128x64xf32, #tpu.memory_space<hbm>> -> memref<128x64xf32, #tpu.memory_space<hbm>>
    %dma_wait3A_221 = arith.constant 0 : i32
    %dma_wait3A_222 = arith.constant 0 : i32
    %dma_wait3A_223 = tpu.memref_slice %arg6[%dma_wait3A_207, %dma_wait3A_221, %dma_wait3A_222] : memref<4x128x64xf32, #tpu.memory_space<vmem>> -> memref<1x128x64xf32, #tpu.memory_space<vmem>>
    %dma_wait3A_224 = tpu.memref_squeeze %dma_wait3A_223 : memref<1x128x64xf32, #tpu.memory_space<vmem>> -> memref<128x64xf32, #tpu.memory_space<vmem>>
    tpu.wait_dma2 semaphore(%arg13 : memref<!tpu.dma_semaphore, #tpu.memory_space<semaphore_mem>>) src(%dma_wait3A_224 : memref<128x64xf32, #tpu.memory_space<vmem>>) dst(%dma_wait3A_220 : memref<128x64xf32, #tpu.memory_space<hbm>>)
    %dma_wait3A_225 = arith.constant 3 : i32
    %dma_wait3A_226 = arith.constant 199 : i32
    %dma_wait3A_227 = arith.constant 0 : i32
    %dma_wait3A_228 = arith.constant 0 : i32
    %dma_wait3A_229 = tpu.memref_slice %arg6[%dma_wait3A_225, %dma_wait3A_227, %dma_wait3A_228] : memref<4x128x64xf32, #tpu.memory_space<vmem>> -> memref<1x128x64xf32, #tpu.memory_space<vmem>>
    %dma_wait3A_230 = tpu.memref_squeeze %dma_wait3A_229 : memref<1x128x64xf32, #tpu.memory_space<vmem>> -> memref<128x64xf32, #tpu.memory_space<vmem>>
    %dma_wait3A_231 = arith.constant 0 : i32
    %dma_wait3A_232 = arith.constant 0 : i32
    %dma_wait3A_233 = tpu.memref_slice %arg4[%add3A, %dma_wait3A_226, %dma_wait3A_231, %dma_wait3A_232] : memref<32x200x128x128xf32, #tpu.memory_space<hbm>> -> memref<1x1x128x64xf32, #tpu.memory_space<hbm>>
    %dma_wait3A_234 = tpu.memref_squeeze %dma_wait3A_233 : memref<1x1x128x64xf32, #tpu.memory_space<hbm>> -> memref<128x64xf32, #tpu.memory_space<hbm>>
    %dma_wait3A_235 = arith.constant 0 : i32
    %dma_wait3A_236 = arith.constant 0 : i32
    %dma_wait3A_237 = tpu.memref_slice %arg4[%add3A, %dma_wait3A_226, %dma_wait3A_235, %dma_wait3A_236] : memref<32x200x128x128xf32, #tpu.memory_space<hbm>> -> memref<1x1x128x64xf32, #tpu.memory_space<hbm>>
    %dma_wait3A_238 = tpu.memref_squeeze %dma_wait3A_237 : memref<1x1x128x64xf32, #tpu.memory_space<hbm>> -> memref<128x64xf32, #tpu.memory_space<hbm>>
    %dma_wait3A_239 = arith.constant 0 : i32
    %dma_wait3A_240 = arith.constant 0 : i32
    %dma_wait3A_241 = tpu.memref_slice %arg6[%dma_wait3A_225, %dma_wait3A_239, %dma_wait3A_240] : memref<4x128x64xf32, #tpu.memory_space<vmem>> -> memref<1x128x64xf32, #tpu.memory_space<vmem>>
    %dma_wait3A_242 = tpu.memref_squeeze %dma_wait3A_241 : memref<1x128x64xf32, #tpu.memory_space<vmem>> -> memref<128x64xf32, #tpu.memory_space<vmem>>
    tpu.wait_dma2 semaphore(%arg14 : memref<!tpu.dma_semaphore, #tpu.memory_space<semaphore_mem>>) src(%dma_wait3A_242 : memref<128x64xf32, #tpu.memory_space<vmem>>) dst(%dma_wait3A_238 : memref<128x64xf32, #tpu.memory_space<hbm>>)
    return
  }
}

module attributes {stable_mosaic.version = 14 : i64} {
  func.func @pack_kernel(%arg0: i32, %arg1: memref<64x4096xf32, #tpu.memory_space<vmem>>, %arg2: memref<64x4096xf32, #tpu.memory_space<vmem>>, %arg3: memref<4096x128xf32, #tpu.memory_space<vmem>>) attributes {dimension_semantics = [#tpu.dimension_semantics<arbitrary>], iteration_bounds = array<i64: 123>, scalar_prefetch = 0 : i64, scratch_operands = 0 : i64, tpu.core_type = #tpu.core_type<tc>, window_params = [{transform_indices = @transform_0, window_bounds = array<i64: 64, 4096>}, {transform_indices = @transform_1, window_bounds = array<i64: 64, 4096>}, {transform_indices = @transform_2, window_bounds = array<i64: 4096, 128>}]} {
    %get3A = arith.constant 0 : index
    %get3A_0 = arith.constant 0 : index
    %get3A_1 = vector.load %arg1[%get3A, %get3A_0] : memref<64x4096xf32, #tpu.memory_space<vmem>>, vector<64x4096xf32>
    %transpose3A = tpu.transpose %get3A_1, [1, 0] : vector<64x4096xf32> -> vector<4096x64xf32>
    %get3A_2 = arith.constant 0 : index
    %get3A_3 = arith.constant 0 : index
    %get3A_4 = vector.load %arg2[%get3A_2, %get3A_3] : memref<64x4096xf32, #tpu.memory_space<vmem>>, vector<64x4096xf32>
    %transpose3A_5 = tpu.transpose %get3A_4, [1, 0] : vector<64x4096xf32> -> vector<4096x64xf32>
    %concatenate3A = tpu.concatenate %transpose3A, %transpose3A_5 in 1 : vector<4096x64xf32>, vector<4096x64xf32> -> vector<4096x128xf32>
    %swap3A = arith.constant 0 : index
    %swap3A_6 = arith.constant 0 : index
    %swap3A_7 = vector.load %arg3[%swap3A, %swap3A_6] : memref<4096x128xf32, #tpu.memory_space<vmem>>, vector<4096x128xf32>
    tpu.vector_store %arg3[%swap3A, %swap3A_6], %concatenate3A {strides = array<i32>} : memref<4096x128xf32, #tpu.memory_space<vmem>>, vector<4096x128xf32>,
    return
  }
  func.func @transform_0(%arg0: i32) -> (i32, i32) {
    %mul3A = arith.constant 2 : i32
    %mul3A_0 = arith.muli %mul3A, %arg0 : i32
    %min3A = arith.constant 244 : i32
    %min3A_1 = arith.minsi %mul3A_0, %min3A : i32
    %c0_i32 = arith.constant 0 : i32
    %c0_i32_2 = arith.constant 0 : i32
    return %c0_i32, %min3A_1 : i32, i32
  }
  func.func @transform_1(%arg0: i32) -> (i32, i32) {
    %mul3A = arith.constant 2 : i32
    %mul3A_0 = arith.muli %mul3A, %arg0 : i32
    %add3A = arith.constant 1 : i32
    %add3A_1 = arith.addi %mul3A_0, %add3A : i32
    %min3A = arith.constant 244 : i32
    %min3A_2 = arith.minsi %add3A_1, %min3A : i32
    %c0_i32 = arith.constant 0 : i32
    %c0_i32_3 = arith.constant 0 : i32
    return %c0_i32, %min3A_2 : i32, i32
  }
  func.func @transform_2(%arg0: i32) -> (i32, i32) {
    %c0_i32 = arith.constant 0 : i32
    %c0_i32_0 = arith.constant 0 : i32
    return %arg0, %c0_i32 : i32, i32
  }
}

</mosaic_0001>

<sc_bundles>
// kernel: kernel.4.cloned.1.call-start
scs
__scs_entry_jumppad:
0x0: {  	(pc) =	sbr.rel $0x88, $3  }
0x1: {  	(tag) =	ssettag $0x0;
	lr =	simm.s32 $0x1  }
0x2: {  	[smem:$0x3F9F] =	sst lr;
	_ =	strace $0xD0000000  }
0x3: {  	_ = 	snop  }
0x4: {  	_ = 	snop  }
0x5: {  	_ = 	snop  }
0x6: {  	_ = 	snop  }
0x7: {  	_ = 	snop  }
__scs_overlays_trampoline_lowered:
0x8: {  	[smem:$0x3FAE] =	sst s0  }
0x9: {  	[smem:$0x3FAF] =	sst s1  }
0xa: {  	[smem:$0x3FB0] =	sst s2  }
0xb: {  	[smem:$0x3FB1] =	sst s3  }
0xc: {  	[smem:$0x3FB2] =	sst s4  }
0xd: {  	[smem:$0x3FB3] =	sst s5  }
0xe: {  	[smem:$0x3FB4] =	sst s6  }
0xf: {  	[smem:$0x3FB5] =	sst s7  }
0x10: {  	[smem:$0x3FB6] =	sst s8  }
0x11: {  	[smem:$0x3FB7] =	sst s9;
	s0 =	simm.s32 @!p0 $0x0  }
0x12: {  	s1 =	sld [smem:$0x3F9D];
	s0 =	simm.s32 @p0 $0x1  }
0x13: {  	[smem:$0x3FB8] =	sst s0;
	s0 =	simm.s32 @!p1 $0x0  }
0x14: {  	s2 =	sld [smem:$0x3F9C];
	s0 =	simm.s32 @p1 $0x1  }
0x15: {  	[smem:$0x3FB9] =	sst s0;
	s0 =	simm.s32 @!p2 $0x0  }
0x16: {  	s3 =	sld [smem:$0x3FDB];
	s0 =	simm.s32 @p2 $0x1  }
0x17: {  	s4 =	simm.s32 $0x1BF5;
	[smem:$0x3FBB] =	sst s0  }
0x18: {  	s0 =	sld [smem:$0x3F9E];
	_ =	swait.ge [sflag:s4], $0x0  }
0x19: {  	s7 =	sld [smem:$0x3F9F]  }
0x1a: {  	s8 =	sadd.s32 $0xFFFFE003, lr  }
0x1b: {  	s9 =	sadd.s32 $0xFFFFFEF7, lr;
	s5 =	simm.s32 $0xFFFFFFFF;
	p2 =	slt.u32 s8, $0xFFFFF086  }
0x1c: {  	p1 =	slt.u32 s9, $0xF7A;
	s5 =	simm.s32 @!p2 $0x0  }
0x1d: {  	s5 =	simm.s32 @p1 $0x1;
	p0 =	seq.s32 s7, s2  }
0x1e: {  	s7 =	smul.u32 @!p0 $0xF7A, s2;
	p2 =	seq.s32 @!p0 s5, $0x0  }
0x1f: {  	s9 =	smul.u32 $0xF7A, s1;
	s8 =	simm.s32 @!p0 $0x1BF5;
	p2 =	por !p2, p0  }
0x20: {  	[sflag:s8] =	ssyncset.s32 @!p0 $0xFFFFF086;
	s6 =	sadd.s32 @!p0 s3, s7;
	s7 =	simm.s32 @!p0 $0x108  }
0x21: {  	s3 =	sadd.s32 s3, s9;
	s6 =	sadd.s32 @!p0 $0x88, s6;
	s7 =	simm.s32 @p2 $0x1082  }
0x22: {  	[simem:s7], [sflag:s8] =	dma.local @!p0 [hbm:s6], $0xF7A  }
0x23: {  	s9 =	sor.u32 $0xD0000000, s2;
	s6 =	simm.s32 $0x108;
	_ =	swait.ge @!p0 [sflag:s8], $0x0  }
0x24: {  	s3 =	sadd.s32 $0x88, s3;
	s6 =	simm.s32 @!p1 $0x1082;
	[sflag:s4] =	ssyncset.s32 $0xFFFFF086  }
0x25: {  	[simem:s6], [sflag:s4] =	dma.local [hbm:s3], $0xF7A  }
0x26: {  	[smem:$0x3F9F] =	sst s1;
	(tag) =	ssettag s2;
	_ =	strace s9  }
0x27: {  	s1 =	sld [smem:$0x3FAF]  }
0x28: {  	s2 =	sld [smem:$0x3FB0]  }
0x29: {  	s4 =	sld [smem:$0x3FB2]  }
0x2a: {  	p0 =	seq.s32 s5, $0x0;
	s5 =	sld [smem:$0x3FB3]  }
0x2b: {  	s6 =	sld [smem:$0x3FB4]  }
0x2c: {  	s7 =	sld [smem:$0x3FB5]  }
0x2d: {  	s3 =	simm.s32 $0x108;
	s8 =	sld [smem:$0x3FB6]  }
0x2e: {  	s3 =	simm.s32 @!p0 $0x1082;
	s9 =	sld [smem:$0x3FB7]  }
0x2f: {  	lr =	sadd.s32 s0, s3;
	s0 =	sld [smem:$0x3FAE]  }
0x30: {  	s3 =	sld [smem:$0x3FB1]  }
0x31: {  	[smem:$0x3FBA] =	sst s10  }
0x32: {  	s10 =	sld [smem:$0x3FB8];
	_ =	sdelay $0x3  }
0x33: {  	p0 =	seq.s32 s10, $0x1;
	s10 =	sld [smem:$0x3FBA];
	_ =	sdelay $0x3  }
0x34: {  	[smem:$0x3FBA] =	sst s10  }
0x35: {  	s10 =	sld [smem:$0x3FB9];
	_ =	sdelay $0x3  }
0x36: {  	p1 =	seq.s32 s10, $0x1;
	s10 =	sld [smem:$0x3FBA];
	_ =	sdelay $0x3  }
0x37: {  	[smem:$0x3FBA] =	sst s10  }
0x38: {  	s10 =	sld [smem:$0x3FBB]  }
0x39: {  	_ = 	snop;
	(pc) =	sbr.ind lr, $3  }
0x3a: {  	_ = 	snop  }
0x3b: {  	_ = 	snop  }
0x3c: {  	p2 =	seq.s32 s10, $0x1;
	s10 =	sld [smem:$0x3FBA]  }
0x3d: {  	_ =	shalt  }
0x3e: {  	_ =	shalt  }
0x3f: {  	_ =	shalt  }
0x40: {  	_ =	shalt  }
0x41: {  	_ =	shalt  }
0x42: {  	_ =	shalt  }
0x43: {  	_ =	shalt  }
0x44: {  	_ =	shalt  }
0x45: {  	_ =	shalt  }
0x46: {  	_ =	shalt  }
0x47: {  	_ =	shalt  }
0x48: {  	_ =	shalt  }
0x49: {  	_ =	shalt  }
0x4a: {  	_ =	shalt  }
0x4b: {  	_ =	shalt  }
0x4c: {  	_ =	shalt  }
0x4d: {  	_ =	shalt  }
0x4e: {  	_ =	shalt  }
0x4f: {  	_ =	shalt  }
0x50: {  	_ =	shalt  }
0x51: {  	_ =	shalt  }
0x52: {  	_ =	shalt  }
0x53: {  	_ =	shalt  }
0x54: {  	_ =	shalt  }
0x55: {  	_ =	shalt  }
0x56: {  	_ =	shalt  }
0x57: {  	_ =	shalt  }
0x58: {  	_ =	shalt  }
0x59: {  	_ =	shalt  }
0x5a: {  	_ =	shalt  }
0x5b: {  	_ =	shalt  }
0x5c: {  	_ =	shalt  }
0x5d: {  	_ =	shalt  }
0x5e: {  	_ =	shalt  }
0x5f: {  	_ =	shalt  }
0x60: {  	_ =	shalt  }
0x61: {  	_ =	shalt  }
0x62: {  	_ =	shalt  }
0x63: {  	_ =	shalt  }
0x64: {  	_ =	shalt  }
0x65: {  	_ =	shalt  }
0x66: {  	_ =	shalt  }
0x67: {  	_ =	shalt  }
0x68: {  	_ =	shalt  }
0x69: {  	_ =	shalt  }
0x6a: {  	_ =	shalt  }
0x6b: {  	_ =	shalt  }
0x6c: {  	_ =	shalt  }
0x6d: {  	_ =	shalt  }
0x6e: {  	_ =	shalt  }
0x6f: {  	_ =	shalt  }
0x70: {  	_ =	shalt  }
0x71: {  	_ =	shalt  }
0x72: {  	_ =	shalt  }
0x73: {  	_ =	shalt  }
0x74: {  	_ =	shalt  }
0x75: {  	_ =	shalt  }
0x76: {  	_ =	shalt  }
0x77: {  	_ =	shalt  }
0x78: {  	_ =	shalt  }
0x79: {  	_ =	shalt  }
0x7a: {  	_ =	shalt  }
0x7b: {  	_ =	shalt  }
0x7c: {  	_ =	shalt  }
0x7d: {  	_ =	shalt  }
0x7e: {  	_ =	shalt  }
0x7f: {  	_ =	shalt  }
0x80: {  	_ =	shalt  }
0x81: {  	_ =	shalt  }
0x82: {  	_ =	shalt  }
0x83: {  	_ =	shalt  }
0x84: {  	_ =	shalt  }
0x85: {  	_ =	shalt  }
0x86: {  	_ =	shalt  }
0x87: {  	_ =	shalt  }
.Lfunc_end0:
.L_simem_size_0:
called_computation.1_lowered:
.L_overlay_start_0:
0x88: {  	s2 =	sld [smem:$0x3FD9]  }
0x89: {  	s3 =	sld [smem:$0x3FFE];
	_ =	sdelay $0x1  }
0x8a: {  	s1 =	srdreg.scid  }
0x8b: {  	s0 =	sand.u32 $0x1, s1  }
0x8c: {  	s17 =	sshll.u32 s0, $0xA;
	s2 =	sadd.s32 s3, s2  }
0x8d: {  	s2 =	sadd.s32 s2, s17  }
0x8e: {  	[smem:$0x3FC6] =	sst s2  }
0x8f: {  	_ = 	snop  }
0x90: {  	s2 =	sld [smem:$0x3FD0];
	(tm) =	ssettm $0x1  }
0x91: {  	s18 =	sld [smem:$0x3FFB];
	_ =	sdelay $0x3  }
0x92: {  	_ =	strace s18  }
0x93: {  	s3 =	sld [smem:$0x3FFC];
	_ =	sdelay $0x3  }
0x94: {  	_ =	strace s3  }
0x95: {  	s3 =	sld [smem:$0x3FFD];
	_ =	sdelay $0x3  }
0x96: {  	_ =	strace s3  }
0x97: {  	_ =	strace $0x8FFFFFFF  }
0x98: {  	s19 =	sld [smem:$0x3FDB];
	_ =	sdelay $0x1  }
0x99: {  	s4 =	simm.s32 $_scs_section_size  }
0x9a: {  	s5 =	simm.s32 $_size__tile_overlayer_lowered;
	s6 =	simm.s32 $_tile_overlayer_lowered  }
0x9b: {  	s22 =	simm.s32 $0x1BFF;
	s21 =	sshll.u32 s6, $0x1;
	s3 =	sadd.s32 s4, s19  }
0x9c: {  	s7 =	simm.s32 $0x0;
	s20 =	sshll.u32 s5, $0x1;
	s5 =	sadd.s32 s21, s3  }
0x9d: {  	[timem:s7], [sflag:s22] =	dma.local [hbm:s5], s20  }
0x9e: {  	_ =	swait.ge [sflag:s22], s20  }
0x9f: {  	s4 =	ssub.s32 $0x0, s20;
	[sflag:s22] =	ssyncset.done $0x0  }
0xa0: {  	[sflag:s22] =	ssyncadd.s32 s4;
	_ =	sdelay $0x1  }
0xa1: {  	s23 =	simm.s32 $0x1B8B  }
0xa2: {  	_ =	swait.ge [sflag:s23], $0x1  }
0xa3: {  	[sflag:s23] =	ssyncset.done $0x0  }
0xa4: {  	s25 =	simm.s32 $0x1B8E;
	s24 =	sld [smem:$0x3FFE];
	[sflag:s23] =	ssyncadd.s32 $0xFFFFFFFF  }
0xa5: {  	s26 =	simm.s32 $execute0_lowered;
	[smem:$0x3FD2] =	sst s25  }
0xa6: {  	s5 =	sshll.u32 s26, $0x1;
	_ =	strace $0x80000046;
	[dreg:$0x1] =	wrdreg $0xFFFFFFFF  }
0xa7: {  	s28 =	simm.s32 $_size_execute0_lowered;
	s3 =	sadd.s32 s3, s5;
	[dreg:$0x0] =	wrdreg $0x0  }
0xa8: {  	s5 =	sshll.u32 s28, $0x1;
	[dreg:$0x2] =	wrdreg s3  }
0xa9: {  	[dreg:$0x3] =	wrdreg s5  }
0xaa: {  	[dreg:$0x4] =	wrdreg $0xC0  }
0xab: {  	_ =	task [dreg:s7], $0x5FFFF  }
0xac: {  	[dreg:$0x1] =	wrdreg $0xFFFFFFFF  }
0xad: {  	[dreg:$0x0] =	wrdreg $0x60  }
0xae: {  	[dreg:$0x2] =	wrdreg s2  }
0xaf: {  	[dreg:$0x3] =	wrdreg s24  }
0xb0: {  	[dreg:$0x4] =	wrdreg $0x9  }
0xb1: {  	_ =	task.clear_ibuf [dreg:s7], $0x5FFFF;
	_ =	strace $0x90000046  }
0xb2: {  	s29 =	simm.s32 $0x9;
	_ =	strace $0x80000048  }
0xb3: {  	_ =	swait.ge [sflag:s29], $0x1  }
0xb4: {  	[sflag:s29] =	ssyncadd.s32 $0xFFFFFFFF  }
0xb5: {  	_ =	strace $0x90000048  }
0xb6: {  	_ =	sfence  }
0xb7: {  	s30 =	sld [smem:$0x0];
	_ =	sdelay $0x2  }
0xb8: {  	s31 =	sshll.u32 s1, $0xD;
	s1 =	sshrl.u32 s1, $0x2  }
0xb9: {  	s3 =	sand.u32 $0x4000, s31;
	s1 =	sadd.s32 s1, s30  }
0xba: {  	s0 =	sor.u32 s3, s0;
	s1 =	sshll.u32 s1, $0x11  }
0xbb: {  	s0 =	sor.u32 s1, s0  }
0xbc: {  	s0 =	sadd.s32 $0x8F2B, s0  }
0xbd: {  	[sflag:s0] =	ssyncadd.remote.s32 $0x1  }
0xbe: {  	_ =	sfence.sel $0xFFFF  }
0xbf: {  	[dreg:$0x0] =	wrdreg $0xFFFFFFFF;
	(pc) =	sbr.abs _section_cstart, $3  }
0xc0: {  	[dreg:$0x1] =	wrdreg $0xFFFFFFFF  }
0xc1: {  	_ =	task.clear_ibuf [dreg:s7], $0x2FFFF;
	_ =	strace $0x9FFFFFFF  }
0xc2: {  	(tm) =	ssettm $0x7FFFFFFF  }
0xc3: {  	_ =	shalt  }
tec
execute0_lowered:
.L_overlay_start_1:
0x0: {  	(tag) =	ssettag $0x1  }
0x1: {  	s0 =	rddreg [dreg:$0x0];
	s1 =	srdreg.scid  }
0x2: {  	s7 =	stileid.u32;
	s2 =	rddreg [dreg:$0x1]  }
0x3: {  	s4 =	simm.s32 $0x0;
	s14 =	simm.s32 $0x9;
	s15 =	simm.s32 $0x80  }
0x4: {  	s16 =	simm.s32 $0x6400;
	s17 =	simm.s32 $0x8400;
	s28 =	simm.s32 $0x3  }
0x5: {  	s1 =	sand.u32 $0x1, s1;
	s3 =	sshll.u32 s7, $0x1;
	s7 =	smul.u32 $0x640000, s7  }
0x6: {  	s3 =	sor.u32 s1, s3;
	s6 =	ssub.s32 $0x2, s1;
	s1 =	smul.u32 $0x320000, s1  }
0x7: {  	s29 =	simm.s32 $0x7;
	s30 =	simm.s32 $0x4;
	s18 =	smul.u32 $0xC80, s3  }
0x8: {  	s31 =	simm.s32 $0x8;
	[smem:$0x7FF] =	sst s4;
	s3 =	smul.u32 $0x320000, s3  }
0x9: {  	s5 =	sadd.s32 $0x7B0800, s2;
	_ =	strace $0x80000047;
	s8 =	sshrl.u32 s6, $0x1  }
0xa: {  	s19 =	ssub.s32 s6, s8;
	s22 =	sadd.s32 s1, s7;
	s9 =	sshrl.u32 s3, $0x3  }
0xb: {  	s3 =	sadd.s32 $0x800, s2;
	s0 =	sadd.s32 s0, s18;
	s24 =	sor.u32 $0xC000, s22  }
0xc: {  	s25 =	sor.u32 $0x8000, s22;
	s26 =	sor.u32 $0x4000, s22;
	s20 =	sadd.s32 s5, s9  }
0xd: {  	[dreg:$0x3] =	wrdreg s0;
	s9 =	smax.u32 s19, $0x1;
	s1 =	sshrl.u32 s24, $0x3  }
0xe: {  	s2 =	sshrl.u32 s26, $0x3;
	s0 =	sshrl.u32 s22, $0x3;
	s19 =	simm.s32 $0xA400  }
0xf: {  	s22 =	simm.s32 $0x1;
	s24 =	simm.s32 $0x5;
	s26 =	simm.s32 $0x6  }
0x10: {  	s21 =	sadd.s32 $0x62000, s20;
	s23 =	sadd.s32 $0x62800, s20;
	s7 =	sadd.s32 $0x63000, s20  }
0x11: {  	s8 =	sadd.s32 $0x63800, s20;
	s10 =	sadd.s32 s1, s5;
	s1 =	sshrl.u32 s25, $0x3  }
0x12: {  	s12 =	sadd.s32 s2, s5;
	s13 =	sadd.s32 s0, s5;
	[dreg:$0x4] =	wrdreg s21  }
0x13: {  	s25 =	simm.s32 $0x2;
	[dreg:$0x5] =	wrdreg s23;
	s11 =	sadd.s32 s1, s5  }
0x14: {  	s21 =	simm.s32 $0xC400;
	s23 =	simm.s32 $0x40;
	s1 =	simm.s32 $0x0  }
.LBB2_1:
0x15: {  	s0 =	simm.s32 $0x0;
	s2 =	rddreg [dreg:$0x3]  }
0x16: {  	[tilespmem:s0], [sflag:$0x9] =	stream.linear.gather [hbm4b:s2+s0], $0x6400, $0x38;
	[tilespmem:$0xE400] =	vst v63  }
0x17: {  	_ =	swait.ge [sflag:s14], $0x6400  }
0x18: {  	[sflag:s14] =	ssyncset.done $0x0  }
0x19: {  	[sflag:s14] =	ssyncadd.s32 $0xFFFF9C00  }
0x1a: {  	[tilespmem:s16], [sflag:$0x1] =	stream.indirect.gather [hbm4b:s3+s15], $0x40, s0, s15, $0xb8;
	[tilespmem:$0xE400] =	vst v63  }
0x1b: {  	_ = 	snop  }
0x1c: {  	[tilespmem:s17], [sflag:$0x2] =	stream.indirect.gather [hbm4b:s3+s15], $0x40, s15, s15, $0xb8;
	[tilespmem:$0xE400] =	vst v63  }
0x1d: {  	s4 =	simm.s32 $0x100  }
0x1e: {  	[tilespmem:s19], [sflag:$0x3] =	stream.indirect.gather [hbm4b:s3+s15], $0x40, s4, s15, $0xb8;
	[tilespmem:$0xE400] =	vst v63  }
0x1f: {  	s5 =	simm.s32 $0x180  }
0x20: {  	[tilespmem:s21], [sflag:$0x4] =	stream.indirect.gather [hbm4b:s3+s15], $0x40, s5, s15, $0xb8;
	[tilespmem:$0xE400] =	vst v63  }
0x21: {  	_ =	swait.ge [sflag:s22], $0x2000  }
0x22: {  	[sflag:s22] =	ssyncset.done $0x0  }
0x23: {  	[sflag:s22] =	ssyncadd.s32 $0xFFFFE000  }
0x24: {  	[hbm4b:s13+s23] =	stream.strided.scatter [tilespmem:s16], [sflag:$0x5], $0x2000, s15, s23, $0x38;
	[tilespmem:$0xE400] =	vst v63  }
0x25: {  	_ =	swait.ge [sflag:s24], $0x2000  }
0x26: {  	[sflag:s24] =	ssyncset.done $0x0  }
0x27: {  	s6 =	simm.s32 $0x200;
	[sflag:s24] =	ssyncadd.s32 $0xFFFFE000  }
0x28: {  	[tilespmem:s16], [sflag:$0x1] =	stream.indirect.gather [hbm4b:s3+s15], $0x40, s6, s15, $0xb8;
	[tilespmem:$0xE400] =	vst v63  }
0x29: {  	_ =	swait.ge [sflag:s25], $0x2000  }
0x2a: {  	[sflag:s25] =	ssyncset.done $0x0  }
0x2b: {  	[sflag:s25] =	ssyncadd.s32 $0xFFFFE000  }
0x2c: {  	[hbm4b:s12+s23] =	stream.strided.scatter [tilespmem:s17], [sflag:$0x6], $0x2000, s15, s23, $0x38;
	[tilespmem:$0xE400] =	vst v63  }
0x2d: {  	_ =	swait.ge [sflag:s26], $0x2000  }
0x2e: {  	[sflag:s26] =	ssyncset.done $0x0  }
0x2f: {  	s18 =	simm.s32 $0x280;
	[sflag:s26] =	ssyncadd.s32 $0xFFFFE000  }
0x30: {  	[tilespmem:s17], [sflag:$0x2] =	stream.indirect.gather [hbm4b:s3+s15], $0x40, s18, s15, $0xb8;
	[tilespmem:$0xE400] =	vst v63  }
0x31: {  	_ =	swait.ge [sflag:s28], $0x2000  }
0x32: {  	[sflag:s28] =	ssyncset.done $0x0  }
0x33: {  	[sflag:s28] =	ssyncadd.s32 $0xFFFFE000  }
0x34: {  	[hbm4b:s11+s23] =	stream.strided.scatter [tilespmem:s19], [sflag:$0x7], $0x2000, s15, s23, $0x38;
	[tilespmem:$0xE400] =	vst v63  }
0x35: {  	_ =	swait.ge [sflag:s29], $0x2000  }
0x36: {  	[sflag:s29] =	ssyncset.done $0x0  }
0x37: {  	s20 =	simm.s32 $0x300;
	[sflag:s29] =	ssyncadd.s32 $0xFFFFE000  }
0x38: {  	[tilespmem:s19], [sflag:$0x3] =	stream.indirect.gather [hbm4b:s3+s15], $0x40, s20, s15, $0xb8;
	[tilespmem:$0xE400] =	vst v63  }
0x39: {  	_ =	swait.ge [sflag:s30], $0x2000  }
0x3a: {  	[sflag:s30] =	ssyncset.done $0x0  }
0x3b: {  	[sflag:s30] =	ssyncadd.s32 $0xFFFFE000  }
0x3c: {  	[hbm4b:s10+s23] =	stream.strided.scatter [tilespmem:s21], [sflag:$0x8], $0x2000, s15, s23, $0x38;
	[tilespmem:$0xE400] =	vst v63  }
0x3d: {  	s2 =	sadd.s32 $0x2000, s12;
	s0 =	simm.s32 $0x800;
	_ =	swait.ge [sflag:s31], $0x2000  }
0x3e: {  	s4 =	sadd.s32 $0x2000, s10;
	s5 =	simm.s32 $0x380;
	[sflag:s31] =	ssyncset.done $0x0  }
0x3f: {  	s18 =	sadd.s32 $0x2000, s13;
	s20 =	sadd.s32 $0x2000, s11;
	[sflag:s31] =	ssyncadd.s32 $0xFFFFE000  }
.LBB2_2:
0x40: {  	[tilespmem:s21], [sflag:$0x4] =	stream.indirect.gather [hbm4b:s3+s15], $0x40, s5, s15, $0xb8;
	[tilespmem:$0xE400] =	vst v63  }
0x41: {  	s5 =	smov.u32 s0  }
0x42: {  	p0 =	sne.s32 s0, $0x18000;
	s0 =	sadd.s32 $0x800, s0;
	_ =	swait.ge [sflag:s22], $0x2000  }
0x43: {  	[sflag:s22] =	ssyncset.done $0x0  }
0x44: {  	[sflag:s22] =	ssyncadd.s32 $0xFFFFE000  }
0x45: {  	[hbm4b:s18+s23] =	stream.strided.scatter [tilespmem:s16], [sflag:$0x5], $0x2000, s15, s23, $0x38;
	[tilespmem:$0xE400] =	vst v63  }
0x46: {  	_ =	swait.ge [sflag:s24], $0x2000  }
0x47: {  	s5 =	sshra.s32 s5, $0x2;
	[sflag:s24] =	ssyncset.done $0x0  }
0x48: {  	s6 =	sadd.s32 $0x200, s5;
	[sflag:s24] =	ssyncadd.s32 $0xFFFFE000  }
0x49: {  	[tilespmem:s16], [sflag:$0x1] =	stream.indirect.gather [hbm4b:s3+s15], $0x40, s6, s15, $0xb8;
	[tilespmem:$0xE400] =	vst v63  }
0x4a: {  	_ =	swait.ge [sflag:s25], $0x2000  }
0x4b: {  	[sflag:s25] =	ssyncset.done $0x0  }
0x4c: {  	[sflag:s25] =	ssyncadd.s32 $0xFFFFE000  }
0x4d: {  	[hbm4b:s2+s23] =	stream.strided.scatter [tilespmem:s17], [sflag:$0x6], $0x2000, s15, s23, $0x38;
	[tilespmem:$0xE400] =	vst v63  }
0x4e: {  	_ =	swait.ge [sflag:s26], $0x2000  }
0x4f: {  	[sflag:s26] =	ssyncset.done $0x0  }
0x50: {  	s6 =	sadd.s32 $0x280, s5;
	[sflag:s26] =	ssyncadd.s32 $0xFFFFE000  }
0x51: {  	[tilespmem:s17], [sflag:$0x2] =	stream.indirect.gather [hbm4b:s3+s15], $0x40, s6, s15, $0xb8;
	[tilespmem:$0xE400] =	vst v63  }
0x52: {  	_ =	swait.ge [sflag:s28], $0x2000  }
0x53: {  	[sflag:s28] =	ssyncset.done $0x0  }
0x54: {  	[sflag:s28] =	ssyncadd.s32 $0xFFFFE000  }
0x55: {  	[hbm4b:s20+s23] =	stream.strided.scatter [tilespmem:s19], [sflag:$0x7], $0x2000, s15, s23, $0x38;
	[tilespmem:$0xE400] =	vst v63  }
0x56: {  	_ =	swait.ge [sflag:s29], $0x2000  }
0x57: {  	[sflag:s29] =	ssyncset.done $0x0  }
0x58: {  	s6 =	sadd.s32 $0x300, s5;
	[sflag:s29] =	ssyncadd.s32 $0xFFFFE000  }
0x59: {  	[tilespmem:s19], [sflag:$0x3] =	stream.indirect.gather [hbm4b:s3+s15], $0x40, s6, s15, $0xb8;
	[tilespmem:$0xE400] =	vst v63  }
0x5a: {  	_ =	swait.ge [sflag:s30], $0x2000  }
0x5b: {  	[sflag:s30] =	ssyncset.done $0x0  }
.Ltmp0:
0x5c: {  	[sflag:s30] =	ssyncadd.s32 $0xFFFFE000;
	(pc) =	sbr.rel @p0 .LBB2_2-.Ltmp0, $4  }
0x5d: {  	[hbm4b:s4+s23] =	stream.strided.scatter [tilespmem:s21], [sflag:$0x8], $0x2000, s15, s23, $0x38;
	[tilespmem:$0xE400] =	vst v63  }
0x5e: {  	s18 =	sadd.s32 $0x2000, s18;
	_ =	swait.ge [sflag:s31], $0x2000  }
0x5f: {  	s2 =	sadd.s32 $0x2000, s2;
	s20 =	sadd.s32 $0x2000, s20;
	[sflag:s31] =	ssyncset.done $0x0  }
0x60: {  	s5 =	sadd.s32 $0x380, s5;
	s4 =	sadd.s32 $0x2000, s4;
	[sflag:s31] =	ssyncadd.s32 $0xFFFFE000  }
0x61: {  	[tilespmem:s21], [sflag:$0x4] =	stream.indirect.gather [hbm4b:s3+s15], $0x40, s5, s15, $0xb8;
	[tilespmem:$0xE400] =	vst v63  }
0x62: {  	_ =	swait.ge [sflag:s22], $0x2000  }
0x63: {  	[sflag:s22] =	ssyncset.done $0x0  }
0x64: {  	s0 =	rddreg [dreg:$0x4];
	[sflag:s22] =	ssyncadd.s32 $0xFFFFE000  }
0x65: {  	[hbm4b:s0+s23] =	stream.strided.scatter [tilespmem:s16], [sflag:$0x5], $0x2000, s15, s23, $0x38;
	[tilespmem:$0xE400] =	vst v63  }
0x66: {  	_ =	swait.ge [sflag:s25], $0x2000  }
0x67: {  	[sflag:s25] =	ssyncset.done $0x0  }
0x68: {  	s20 =	rddreg [dreg:$0x5];
	[sflag:s25] =	ssyncadd.s32 $0xFFFFE000  }
0x69: {  	[hbm4b:s20+s23] =	stream.strided.scatter [tilespmem:s17], [sflag:$0x6], $0x2000, s15, s23, $0x38;
	[tilespmem:$0xE400] =	vst v63  }
0x6a: {  	_ =	swait.ge [sflag:s28], $0x2000  }
0x6b: {  	[sflag:s28] =	ssyncset.done $0x0  }
0x6c: {  	[sflag:s28] =	ssyncadd.s32 $0xFFFFE000  }
0x6d: {  	[hbm4b:s7+s23] =	stream.strided.scatter [tilespmem:s19], [sflag:$0x7], $0x2000, s15, s23, $0x38;
	[tilespmem:$0xE400] =	vst v63  }
0x6e: {  	_ =	swait.ge [sflag:s30], $0x2000  }
0x6f: {  	[sflag:s30] =	ssyncset.done $0x0  }
0x70: {  	[sflag:s30] =	ssyncadd.s32 $0xFFFFE000  }
0x71: {  	[hbm4b:s8+s23] =	stream.strided.scatter [tilespmem:s21], [sflag:$0x8], $0x2000, s15, s23, $0x38;
	[tilespmem:$0xE400] =	vst v63  }
0x72: {  	_ =	swait.ge [sflag:s24], $0x2000  }
0x73: {  	[sflag:s24] =	ssyncset.done $0x0  }
0x74: {  	[sflag:s24] =	ssyncadd.s32 $0xFFFFE000  }
0x75: {  	_ =	swait.ge [sflag:s26], $0x2000  }
0x76: {  	[sflag:s26] =	ssyncset.done $0x0  }
0x77: {  	s1 =	sadd.s32 $0x1, s1;
	[sflag:s26] =	ssyncadd.s32 $0xFFFFE000  }
0x78: {  	p0 =	sne.s32 s1, s9;
	_ =	swait.ge [sflag:s29], $0x2000  }
.Ltmp1:
0x79: {  	[sflag:s29] =	ssyncset.done $0x0;
	(pc) =	sbr.rel @p0 .LBB2_1-.Ltmp1, $4  }
0x7a: {  	[sflag:s29] =	ssyncadd.s32 $0xFFFFE000  }
0x7b: {  	_ =	swait.ge [sflag:s31], $0x2000  }
0x7c: {  	[sflag:s31] =	ssyncset.done $0x0  }
0x7d: {  	[sflag:s31] =	ssyncadd.s32 $0xFFFFE000  }
0x7e: {  	_ =	sfence.sel $0x180000  }
0x7f: {  	[bflag:$0x0] =	sbarrier.arrive $0xFFFF  }
0x80: {  	_ =	strace $0x90000047  }
0x81: {  	s0 =	stileid.u32;
	[bflag:$0x2] =	sbarrier.arrive $0xFFFF  }
0x82: {  	p0 =	sne.s32 s0, $0x0;
	s0 =	rddreg [dreg:$0x2]  }
0x83: {  	s0 =	sadd.s32 @!p0 $0x100000, s0  }
0x84: {  	[sflag:s0] =	ssyncadd.tile.s32 @!p0 $0x1;
	_ =	shalt  }
.Lfunc_end2:
_tile_overlayer_lowered:
.L_overlay_start_2:
0x85: {  	(tag) =	ssettag $0x2  }
0x86: {  	s0 =	rddreg [dreg:$0x0];
	s2 =	stileid.u32  }
0x87: {  	s1 =	rddreg [dreg:$0x1];
	p0 =	sne.s32 s2, $0x0  }
0x88: {  	s3 =	rddreg [dreg:$0x2];
	[bflag:$0x3] =	sbarrier.arrive $0xFFFF;
	s2 =	simm.s32 @!p0 $0x1C09  }
0x89: {  	[timem:s3], [sflag:s2] =	dma.local @!p0 [hbm:s0], s1  }
0x8a: {  	s0 =	simm.s32 @!p0 $0x9  }
0x8b: {  	_ =	swait.ge @!p0 [sflag:s0], s1  }
0x8c: {  	s1 =	ssub.s32 @!p0 $0x0, s1;
	[sflag:s0] =	ssyncset.done @!p0 $0x0  }
0x8d: {  	[sflag:s0] =	ssyncadd.s32 @!p0 s1  }
0x8e: {  	[bflag:$0x3] =	sbarrier.arrive $0xFFFF  }
0x8f: {  	_ =	shalt  }

// kernel: sparse-core-data-format-call.cloned.1.call-start
scs
called_computation_lowered:
.L_overlay_start_0:
0x0: {  	s2 =	sld [smem:$0x3FD9]  }
0x1: {  	s3 =	sld [smem:$0x3FFE];
	_ =	sdelay $0x1  }
0x2: {  	s1 =	srdreg.scid  }
0x3: {  	s0 =	sand.u32 $0x1, s1  }
0x4: {  	s18 =	sshll.u32 s0, $0xA;
	s2 =	sadd.s32 s3, s2  }
0x5: {  	s2 =	sadd.s32 s2, s18  }
0x6: {  	[smem:$0x3FC6] =	sst s2  }
0x7: {  	_ = 	snop  }
0x8: {  	s2 =	sld [smem:$0x3FD0];
	(tm) =	ssettm $0x1  }
0x9: {  	s19 =	sld [smem:$0x3FFB];
	_ =	sdelay $0x3  }
0xa: {  	_ =	strace s19  }
0xb: {  	s3 =	sld [smem:$0x3FFC];
	_ =	sdelay $0x3  }
0xc: {  	_ =	strace s3  }
0xd: {  	s3 =	sld [smem:$0x3FFD];
	_ =	sdelay $0x3  }
0xe: {  	_ =	strace s3  }
0xf: {  	_ =	strace $0x8FFFFFFF  }
0x10: {  	s20 =	sld [smem:$0x3FDB];
	_ =	sdelay $0x1  }
0x11: {  	s4 =	simm.s32 $_scs_section_size  }
0x12: {  	s5 =	simm.s32 $_size__tile_overlayer_lowered;
	s6 =	simm.s32 $_tile_overlayer_lowered  }
0x13: {  	s23 =	simm.s32 $0x1BFF;
	s22 =	sshll.u32 s6, $0x1;
	s3 =	sadd.s32 s4, s20  }
0x14: {  	s7 =	simm.s32 $0x0;
	s21 =	sshll.u32 s5, $0x1;
	s5 =	sadd.s32 s22, s3  }
0x15: {  	[timem:s7], [sflag:s23] =	dma.local [hbm:s5], s21  }
0x16: {  	_ =	swait.ge [sflag:s23], s21  }
0x17: {  	s4 =	ssub.s32 $0x0, s21;
	[sflag:s23] =	ssyncset.done $0x0  }
0x18: {  	[sflag:s23] =	ssyncadd.s32 s4;
	_ =	sdelay $0x1  }
0x19: {  	s24 =	simm.s32 $0x1B8B  }
0x1a: {  	_ =	swait.ge [sflag:s24], $0x1  }
0x1b: {  	[sflag:s24] =	ssyncset.done $0x0  }
0x1c: {  	s26 =	simm.s32 $0x1B8E;
	s25 =	sld [smem:$0x3FFE];
	[sflag:s24] =	ssyncadd.s32 $0xFFFFFFFF  }
0x1d: {  	s27 =	simm.s32 $execute0_lowered;
	[smem:$0x3FD2] =	sst s26  }
0x1e: {  	s5 =	sshll.u32 s27, $0x1;
	_ =	strace $0x80000049;
	[dreg:$0x1] =	wrdreg $0xFFFFFFFF  }
0x1f: {  	s28 =	simm.s32 $_size_execute0_lowered;
	s3 =	sadd.s32 s3, s5;
	[dreg:$0x0] =	wrdreg $0x0  }
0x20: {  	s5 =	sshll.u32 s28, $0x1;
	[dreg:$0x2] =	wrdreg s3  }
0x21: {  	[dreg:$0x3] =	wrdreg s5  }
0x22: {  	[dreg:$0x4] =	wrdreg $0xC0  }
0x23: {  	_ =	task [dreg:s7], $0x5FFFF  }
0x24: {  	[dreg:$0x1] =	wrdreg $0xFFFFFFFF  }
0x25: {  	[dreg:$0x0] =	wrdreg $0x60  }
0x26: {  	[dreg:$0x2] =	wrdreg s25  }
0x27: {  	[dreg:$0x3] =	wrdreg s2  }
0x28: {  	[dreg:$0x4] =	wrdreg $0x9  }
0x29: {  	_ =	task.clear_ibuf [dreg:s7], $0x5FFFF;
	_ =	strace $0x90000049  }
0x2a: {  	s29 =	simm.s32 $0x9;
	_ =	strace $0x8000004B  }
0x2b: {  	_ =	swait.ge [sflag:s29], $0x1  }
0x2c: {  	[sflag:s29] =	ssyncadd.s32 $0xFFFFFFFF  }
0x2d: {  	_ =	strace $0x9000004B  }
0x2e: {  	_ =	sfence  }
0x2f: {  	s30 =	sld [smem:$0x0];
	_ =	sdelay $0x2  }
0x30: {  	s31 =	sshll.u32 s1, $0xD;
	s1 =	sshrl.u32 s1, $0x2  }
0x31: {  	s3 =	sand.u32 $0x4000, s31;
	s1 =	sadd.s32 s1, s30  }
0x32: {  	s0 =	sor.u32 s3, s0;
	s1 =	sshll.u32 s1, $0x11  }
0x33: {  	s0 =	sor.u32 s1, s0  }
0x34: {  	s0 =	sadd.s32 $0x8F2B, s0  }
0x35: {  	[sflag:s0] =	ssyncadd.remote.s32 $0x1  }
0x36: {  	_ =	sfence.sel $0xFFFF  }
0x37: {  	[dreg:$0x0] =	wrdreg $0xFFFFFFFF;
	(pc) =	sbr.abs _section_cstart, $3  }
0x38: {  	[dreg:$0x1] =	wrdreg $0xFFFFFFFF  }
0x39: {  	_ =	task.clear_ibuf [dreg:s7], $0x2FFFF;
	_ =	strace $0x9FFFFFFF  }
0x3a: {  	(tm) =	ssettm $0x7FFFFFFF  }
0x3b: {  	_ =	shalt  }
tec
execute0_lowered:
.L_overlay_start_1:
0x0: {  	(tag) =	ssettag $0x1  }
0x1: {  	s0 =	srdreg.scid  }
0x2: {  	s1 =	sshll.u32 s0, $0x4  }
0x3: {  	s0 =	stileid.u32;
	s1 =	sand.u32 $0x10, s1  }
0x4: {  	s1 =	sor.u32 s0, s1  }
0x5: {  	s6 =	rddreg [dreg:$0x0];
	s4 =	simm.s32 $0x1;
	s2 =	sshll.u32 s1, $0x7  }
0x6: {  	s7 =	simm.s32 $0x2;
	s12 =	simm.s32 $0x0;
	s1 =	ssub.s32 $0x1000, s2  }
0x7: {  	s8 =	simm.s32 $0x8000;
	s13 =	simm.s32 $0x0;
	s3 =	sand.u32 $0xF80, s1  }
0x8: {  	s9 =	simm.s32 $0x0;
	s5 =	sshrl.u32 s1, $0xC;
	p0 =	sne.s32 s3, $0x0  }
.Ltmp0:
0x9: {  	s1 =	rddreg [dreg:$0x2];
	s4 =	simm.s32 @!p0 $0x0;
	(pc) =	sbr.rel .LBB1_1-.Ltmp0, $4  }
0xa: {  	s11 =	simm.s32 $0x0;
	s3 =	rddreg [dreg:$0x1];
	s5 =	sadd.s32 s4, s5  }
0xb: {  	_ =	strace $0x8000004A;
	s4 =	simm.s32 $0x1;
	s5 =	smul.u32 $0xC8, s5  }
0xc: {  	s6 =	sadd.s32 $0x7B0800, s6;
	s10 =	smov.u32 s2;
	[sflag:s4] =	ssyncpa.u1 $0x0  }
0xd: {  	p0 =	por $0x0, $0x0;
	[sflag:s7] =	ssyncpa.u1 $0x0;
	s7 =	sor.u32 $0x1, s5  }
.LBB1_4:
0xe: {  	s16 =	sshll.u32 s13, $0x3;
	s17 =	sand.u32 $0x78, s13  }
0xf: {  	s30 =	sand.u32 $0x7E00, s13;
	s12 =	sshll.u32 s12, $0xF;
	s16 =	sand.u32 $0xC00, s16  }
0x10: {  	[tilespmem:s15+$0x810 ss:$0x81] =	vst.msk $0xffff, v2;
	s31 =	sand.u32 $0x7, s13;
	s16 =	sor.u32 s17, s16;
	s17 =	sadd.s32 s3, s30  }
0x11: {  	[tilespmem:s15+$0x1020 ss:$0x81] =	vst.msk $0xffff, v0;
	s13 =	sshll.u32 s31, $0x12;
	s12 =	sadd.s32 s12, s17;
	s16 =	sshrl.u32 s16, $0x3  }
0x12: {  	[tilespmem:s15+$0x0 ss:$0x81] =	vst.msk $0xffff, v1;
	s13 =	sor.u32 $0x400, s13;
	s12 =	sadd.s32 s16, s12  }
0x13: {  	[hbm4b:s12+s13] =	stream.strided.scatter [tilespmem:s14], [sflag:$0x2], $0x2000, s8, s13, $0x20;
	[tilespmem:$0x8080] =	vst v63  }
.LBB1_5:
0x14: {  	s14 =	sadd.s32 $0x1, s9  }
0x15: {  	s12 =	sadd.s32 $0x1000, s10;
	s16 =	smov.u32 s10;
	p2 =	sgt.s32 s14, $0xC7  }
0x16: {  	s16 =	smov.u32 @p2 s12  }
0x17: {  	s14 =	simm.s32 @p2 $0x0;
	p2 =	sgt.s32 s16, $0xFFF  }
0x18: {  	s16 =	smov.u32 @p2 s2;
	p2 =	sne.s32 s11, s7  }
.Ltmp1:
0x19: {  	p1 =	slt.u32 s11, $0x2;
	(pc) =	sbr.rel @!p2 .LBB1_6-.Ltmp1, $4  }
0x1a: {  	s15 =	simm.s32 @!p1 $0x2  }
0x1b: {  	s13 =	smov.u32 s10;
	p0 =	por !p0, !p0;
	_ =	swait.ge @!p1 [sflag:s15], $0x2000  }
0x1c: {  	s12 =	smov.u32 s9;
	[sflag:s15] =	ssyncset.done @!p1 $0x0;
	s9 =	smov.u32 s14  }
0x1d: {  	s11 =	sadd.s32 $0x1, s11;
	[sflag:s15] =	ssyncadd.s32 @!p1 $0xFFFFE000;
	s10 =	smov.u32 s16  }
.LBB1_1:
0x1e: {  	p1 =	sge.u32 s11, s5  }
0x1f: {  	s14 =	sand.u32 @!p1 $0x1FFFFFF, s9  }
0x20: {  	s15 =	smulhi.u32 @!p1 $0x147AE15, s14;
	_ =	sdelay $0x1  }
0x21: {  	s15 =	smul.u32 @!p1 $0xC8, s15  }
0x22: {  	s16 =	sxor.u32 @!p1 $0xFFFFFFFF, s11;
	s17 =	smul.u32 @!p1 $0xC80, s10  }
0x23: {  	s31 =	sadd.s32 $0xFFFFFFFF, s11;
	s16 =	sshll.u32 @!p1 s16, $0xD;
	s14 =	ssub.s32 @!p1 s14, s15  }
0x24: {  	s15 =	sand.u32 @!p1 $0x2000, s16;
	s16 =	sadd.s32 @!p1 s6, s17;
	s14 =	sshll.u32 @!p1 s14, $0x4  }
0x25: {  	s17 =	simm.s32 @!p1 $0x6400;
	s14 =	sadd.s32 @!p1 s14, s16;
	s16 =	simm.s32 @!p1 $0x40  }
0x26: {  	[tilespmem:s15], [sflag:$0x1] =	stream.strided.gather @!p1 [hbm4b:s14+s16], $0x2000, s17, s16, $0x38;
	[tilespmem:$0x8080] =	vst v63  }
0x27: {  	p1 =	sge.u32 s31, s5  }
.Ltmp2:
0x28: {  	_ = 	snop;
	(pc) =	sbr.rel @p1 .LBB1_5-.Ltmp2, $1  }
0x29: {  	_ =	sdelay $0x3  }
0x2a: {  	s14 =	simm.s32 $0x1  }
0x2b: {  	_ =	swait.ge [sflag:s4], $0x2000;
	s14 =	simm.s32 @!p0 $0x0  }
0x2c: {  	[sflag:s4] =	ssyncset.done $0x0;
	s15 =	sshll.u32 s14, $0xD  }
0x2d: {  	[sflag:s4] =	ssyncadd.s32 $0xFFFFE000;
	s18 =	sor.u32 $0x20, s15  }
0x2e: {  	s14 =	smul.u32 $0x8100, s14;
	v3 =	vld [tilespmem:s18+$0x10]  }
0x2f: {  	s30 =	sand.u32 $0x1, s11;
	v2 =	vld [tilespmem:s18+$0xFFFFFFF0]  }
0x30: {  	s15 =	smul.u32 $0x8100, s30;
	s14 =	sshrl.u32 s14, $0x2;
	v0 =	vld [tilespmem:s18+$0x0]  }
0x31: {  	v1 =	vld [tilespmem:s18+$0xFFFFFFE0];
	s16 =	sor.u32 $0x4000, s14  }
0x32: {  	s31 =	sshrl.u32 s15, $0x2;
	s15 =	sadd.s32 $0x0, s16  }
0x33: {  	s17 =	simm.s32 $0x4;
	s18 =	sadd.s32 $0x40, s18;
	s14 =	sor.u32 $0x4000, s31;
	[tilespmem:s15+$0x1830 ss:$0x81] =	vst.msk $0xffff, v3  }
.LBB1_3:
0x34: {  	v3 =	vld [tilespmem:s18+$0x10];
	p1 =	sne.s32 s17, $0x1FC;
	[tilespmem:s15+$0x810 ss:$0x81] =	vst.msk $0xffff, v2;
	s19 =	smov.u32 s17;
	s17 =	sadd.s32 $0x4, s17  }
.Ltmp3:
0x35: {  	v2 =	vld [tilespmem:s18+$0xFFFFFFF0];
	[tilespmem:s15+$0x1020 ss:$0x81] =	vst.msk $0xffff, v0;
	(pc) =	sbr.rel @p1 .LBB1_3-.Ltmp3, $4  }
0x36: {  	v0 =	vld [tilespmem:s18+$0x0];
	[tilespmem:s15+$0x0 ss:$0x81] =	vst.msk $0xffff, v1  }
0x37: {  	s15 =	sshra.s32 s19, $0x2;
	v1 =	vld [tilespmem:s18+$0xFFFFFFE0]  }
0x38: {  	s15 =	sadd.s32 s15, s16  }
0x39: {  	s18 =	sadd.s32 $0x40, s18;
	[tilespmem:s15+$0x1830 ss:$0x81] =	vst.msk $0xffff, v3  }
.Ltmp4:
0x3a: {  	_ = 	snop;
	(pc) =	sbr.rel .LBB1_4-.Ltmp4, $1  }
0x3b: {  	_ =	sdelay $0x3  }
.LBB1_6:
0x3c: {  	_ =	sfence.sel $0x180000  }
0x3d: {  	s2 =	simm.s32 $0x1;
	[bflag:$0x0] =	sbarrier.arrive $0xFFFF  }
0x3e: {  	s31 =	simm.s32 $0x2;
	[sflag:s2] =	ssyncpa.u1 $0x1  }
0x3f: {  	[sflag:s31] =	ssyncpa.u1 $0x1  }
0x40: {  	p0 =	sne.s32 s0, $0x0;
	_ =	strace $0x9000004A  }
0x41: {  	s0 =	sadd.s32 @!p0 $0x100000, s1;
	[bflag:$0x2] =	sbarrier.arrive $0xFFFF  }
0x42: {  	[sflag:s0] =	ssyncadd.tile.s32 @!p0 $0x1;
	_ =	shalt  }
.Lfunc_end1:
_tile_overlayer_lowered:
.L_overlay_start_2:
0x43: {  	(tag) =	ssettag $0x2  }
0x44: {  	s0 =	rddreg [dreg:$0x0];
	s2 =	stileid.u32  }
0x45: {  	s1 =	rddreg [dreg:$0x1];
	p0 =	sne.s32 s2, $0x0  }
0x46: {  	s3 =	rddreg [dreg:$0x2];
	[bflag:$0x3] =	sbarrier.arrive $0xFFFF;
	s2 =	simm.s32 @!p0 $0x1C01  }
0x47: {  	[timem:s3], [sflag:s2] =	dma.local @!p0 [hbm:s0], s1  }
0x48: {  	s0 =	simm.s32 @!p0 $0x1  }
0x49: {  	_ =	swait.ge @!p0 [sflag:s0], s1  }
0x4a: {  	s1 =	ssub.s32 @!p0 $0x0, s1;
	[sflag:s0] =	ssyncset.done @!p0 $0x0  }
0x4b: {  	[sflag:s0] =	ssyncadd.s32 @!p0 s1  }
0x4c: {  	[bflag:$0x3] =	sbarrier.arrive $0xFFFF  }
0x4d: {  	_ =	shalt  }

</sc_bundles>
